<compile_context>
chip_gen: v7x
topology: tpu7x:2x2x1
jax: 0.10.2.dev20260603
libtpu: 0.0.44.dev20260713+nightly
codegen_flags: <defaults>
</compile_context>

<pallas_src>
import functools

import jax
import jax.numpy as jnp
from jax import lax
from jax.experimental import pallas as pl
from jax.experimental.pallas import tpu as pltpu
from jax.experimental.pallas import tpu_sc as plsc

_BATCH = 4096
_NCOLS = 33344
_KMAX = 512
_NEG = -10000.0

_NC = 2
_NS = 16
_NW = _NC * _NS
_CPW = _BATCH // _NW
_ICH = 64
_mesh = plsc.VectorSubcoreMesh(core_axis_name="c", subcore_axis_name="s")


@functools.partial(
    pl.kernel,
    mesh=_mesh,
    out_type=jax.ShapeDtypeStruct((_KMAX, _BATCH), jnp.int32),
    scratch_types=[
        pltpu.VMEM((_ICH, 1 + _KMAX), jnp.int32),
        pltpu.VMEM((_KMAX, _CPW), jnp.int32),
    ],
    compiler_params=pltpu.CompilerParams(
        use_tc_tiling_on_sc=False, needs_layout_passes=False
    ),
)
def _sc_build_mask(idx_hbm, mask_hbm, idx_v, mask_v):
    wid = lax.axis_index("s") * _NC + lax.axis_index("c")
    col0 = wid * _CPW
    lane = lax.iota(jnp.int32, 16)
    zeros = jnp.zeros((16,), jnp.int32)
    ones = jnp.ones((16,), jnp.int32)

    def zrow(c, carry):
        for b in range(_CPW // 16):
            mask_v[c, pl.ds(b * 16, 16)] = zeros
        return carry

    lax.fori_loop(0, _KMAX, zrow, 0)

    for ch in range(_CPW // _ICH):
        pltpu.sync_copy(idx_hbm.at[pl.ds(col0 + ch * _ICH, _ICH)], idx_v)

        def row_body(rr, carry):
            k = idx_v[rr, pl.ds(0, 16)][0]
            rl = ch * _ICH + rr
            rvec = jnp.full((16,), 0, jnp.int32) + rl
            rrvec = jnp.full((16,), 0, jnp.int32) + rr

            def j_body(jb, carry2):
                jidx = plsc.load_gather(idx_v, [rrvec, 1 + jb * 16 + lane])
                valid = (jb * 16 + lane) < k
                plsc.store_scatter(mask_v, [jidx, rvec], ones, mask=valid)
                return carry2

            lax.fori_loop(0, _KMAX // 16, j_body, 0)
            return carry

        lax.fori_loop(0, _ICH, row_body, 0)

    pltpu.sync_copy(
        mask_v, mask_hbm.at[pl.ds(0, _KMAX), pl.ds(col0, _CPW)]
    )


_FB = 1024
_NFB = (_NCOLS + _FB - 1) // _FB
_FREM = _NCOLS - (_NFB - 1) * _FB
_DEP = 8


def _fill_body(out_hbm, cf32, csem_o):
    cf32[...] = jnp.full((_FB, _BATCH), jnp.float32(_NEG))

    def cdma(b, slot):
        n = _FREM if b == _NFB - 1 else _FB
        rows = pl.ds(b * _FB, n)
        return pltpu.make_async_copy(
            cf32.at[pl.ds(0, n)], out_hbm.at[rows], csem_o.at[slot]
        )

    for b in range(_NFB):
        if b >= _DEP:
            cdma(b - _DEP, (b - _DEP) % _DEP).wait()
        cdma(b, b % _DEP).start()
    for b in range(max(0, _NFB - _DEP), _NFB):
        cdma(b, b % _DEP).wait()


def _merge_body(mask_ref, p_ref, out0_ref, out_ref):
    del out0_ref
    m = mask_ref[...] > 0
    out_ref[...] = jnp.where(m, p_ref[...], _NEG)


def kernel(p, valids_idx):
    mask_t = _sc_build_mask(valids_idx)
    p_t = p.T
    out0 = pl.pallas_call(
        _fill_body,
        out_specs=pl.BlockSpec(memory_space=pl.ANY),
        out_shape=jax.ShapeDtypeStruct((_NCOLS, _BATCH), jnp.float32),
        scratch_shapes=[
            pltpu.VMEM((_FB, _BATCH), jnp.float32),
            pltpu.SemaphoreType.DMA((_DEP,)),
        ],
    )()
    out_t = pl.pallas_call(
        _merge_body,
        grid=(1,),
        in_specs=[
            pl.BlockSpec((_KMAX, _BATCH), lambda i: (0, 0)),
            pl.BlockSpec((_KMAX, _BATCH), lambda i: (0, 0)),
            pl.BlockSpec(memory_space=pl.ANY),
        ],
        out_specs=pl.BlockSpec((_KMAX, _BATCH), lambda i: (0, 0)),
        out_shape=jax.ShapeDtypeStruct((_NCOLS, _BATCH), jnp.float32),
        input_output_aliases={2: 0},
    )(mask_t, p_t, out0)
    vz = jax.lax.optimization_barrier(jnp.zeros((_NCOLS, _BATCH), jnp.bool_))
    val_t = jax.lax.dynamic_update_slice(vz, mask_t > 0, (0, 0))
    return (out_t.T, val_t.T)

# --- scband reference (transcript-rebuilt; emitter-appended) ---
"""Pipeline reference for scband-valid-mask-20186346291706 (READ-ONLY COPY).

The authoritative reference and input builder live on the scoring server;
editing this copy changes nothing except your own understanding.
"""

import jax, jax.numpy as jnp
import numpy as np

BATCH = 4096
NCOLS = 33344
KMAX = 512


def setup_inputs(seed: int = 0) -> dict:
    key = jax.random.key(seed)
    k1, k2 = jax.random.split(key)
    p = jax.random.normal(k1, (BATCH, NCOLS), dtype=jnp.float32)
    valids_idx = jax.random.randint(k2, (BATCH, 1 + KMAX), 0, KMAX, dtype=jnp.int32)
    return {"p": p, "valids_idx": valids_idx}


def reference(p, valids_idx):
    batch_size = p.shape[0]
    k = valids_idx[:, 0].astype(jnp.int32)
    max_k = valids_idx.shape[1] - 1
    indices = valids_idx[:, 1:1 + max_k]
    row_indices = jnp.broadcast_to(jnp.arange(batch_size)[:, None], (batch_size, max_k))
    col_range = jnp.broadcast_to(jnp.arange(max_k)[None, :], (batch_size, max_k))
    mask = col_range < k[:, None]
    scatter_cols = jnp.where(mask, indices, NCOLS)
    valids = jnp.zeros((batch_size, NCOLS), dtype=bool)
    valids = valids.at[row_indices, scatter_cols].set(True, mode="drop")
    out = jnp.where(valids, p, jnp.float32(-10000.0))
    return (out, valids)

if __name__ == "__main__":
    import jax
    _d = setup_inputs()
    print(jax.jit(kernel)(*tuple(_d.values())))

</pallas_src>

<mosaic_0001>
#map = affine_map<(d0, d1) -> (0, 0)>
module attributes {stable_mosaic.version = 14 : i64} {
  func.func @_sc_build_mask(%arg0: i32, %arg1: i32, %arg2: memref<4096x513xi32, #tpu.memory_space<hbm>>, %arg3: memref<512x4096xi32, #tpu.memory_space<hbm>>, %arg4: memref<64x513xi32, #tpu.memory_space<vmem>>, %arg5: memref<512x128xi32, #tpu.memory_space<vmem>>) attributes {dimension_semantics = [#tpu.dimension_semantics<core_parallel>, #tpu.dimension_semantics<subcore_parallel>], iteration_bounds = array<i64: 2, 16>, scalar_prefetch = 0 : i64, scratch_operands = 2 : i64, tpu.core_type = #tpu.core_type<sc_vector_subcore>, window_params = [{transform_indices = #map}, {transform_indices = #map}]} {
    %mul3A = arith.constant 2 : i32
    %mul3A_0 = arith.muli %arg1, %mul3A : i32
    %add3A = arith.addi %mul3A_0, %arg0 : i32
    %mul3A_1 = arith.constant 128 : i32
    %mul3A_2 = arith.muli %add3A, %mul3A_1 : i32
    %iota3A = tpu.iota {dimensions = array<i32: 0>} : vector<16xi32>
    %broadcast_in_dim3A = arith.constant 0 : i32
    %broadcast_in_dim3A_3 = vector.broadcast %broadcast_in_dim3A : i32 to vector<16xi32>
    %broadcast_in_dim3A_4 = arith.constant 1 : i32
    %broadcast_in_dim3A_5 = vector.broadcast %broadcast_in_dim3A_4 : i32 to vector<16xi32>
    %scan3A = arith.constant 0 : i32
    %scan3A_6 = arith.constant 0 : i32
    %scan3A_7 = arith.constant 512 : i32
    %scan3A_8 = arith.addi %scan3A_6, %scan3A_7 : i32
    %scan3A_9 = arith.constant 1 : i32
    scf.for %scan3A_27 = %scan3A_6 to %scan3A_8 step %scan3A_9  : i32 {
      %swap3A = arith.index_cast %scan3A_27 : i32 to index
      %swap3A_28 = arith.constant 0 : index
      %swap3A_29 = tpu.vector_load %arg5[%swap3A, %swap3A_28] {strides = array<i32>} : memref<512x128xi32, #tpu.memory_space<vmem>>, vector<16xi32>,
      tpu.vector_store %arg5[%swap3A, %swap3A_28], %broadcast_in_dim3A_3 {strides = array<i32>} : memref<512x128xi32, #tpu.memory_space<vmem>>, vector<16xi32>,
      %swap3A_30 = arith.index_cast %scan3A_27 : i32 to index
      %swap3A_31 = arith.constant 16 : index
      %swap3A_32 = tpu.vector_load %arg5[%swap3A_30, %swap3A_31] {strides = array<i32>} : memref<512x128xi32, #tpu.memory_space<vmem>>, vector<16xi32>,
      tpu.vector_store %arg5[%swap3A_30, %swap3A_31], %broadcast_in_dim3A_3 {strides = array<i32>} : memref<512x128xi32, #tpu.memory_space<vmem>>, vector<16xi32>,
      %swap3A_33 = arith.index_cast %scan3A_27 : i32 to index
      %swap3A_34 = arith.constant 32 : index
      %swap3A_35 = tpu.vector_load %arg5[%swap3A_33, %swap3A_34] {strides = array<i32>} : memref<512x128xi32, #tpu.memory_space<vmem>>, vector<16xi32>,
      tpu.vector_store %arg5[%swap3A_33, %swap3A_34], %broadcast_in_dim3A_3 {strides = array<i32>} : memref<512x128xi32, #tpu.memory_space<vmem>>, vector<16xi32>,
      %swap3A_36 = arith.index_cast %scan3A_27 : i32 to index
      %swap3A_37 = arith.constant 48 : index
      %swap3A_38 = tpu.vector_load %arg5[%swap3A_36, %swap3A_37] {strides = array<i32>} : memref<512x128xi32, #tpu.memory_space<vmem>>, vector<16xi32>,
      tpu.vector_store %arg5[%swap3A_36, %swap3A_37], %broadcast_in_dim3A_3 {strides = array<i32>} : memref<512x128xi32, #tpu.memory_space<vmem>>, vector<16xi32>,
      %swap3A_39 = arith.index_cast %scan3A_27 : i32 to index
      %swap3A_40 = arith.constant 64 : index
      %swap3A_41 = tpu.vector_load %arg5[%swap3A_39, %swap3A_40] {strides = array<i32>} : memref<512x128xi32, #tpu.memory_space<vmem>>, vector<16xi32>,
      tpu.vector_store %arg5[%swap3A_39, %swap3A_40], %broadcast_in_dim3A_3 {strides = array<i32>} : memref<512x128xi32, #tpu.memory_space<vmem>>, vector<16xi32>,
      %swap3A_42 = arith.index_cast %scan3A_27 : i32 to index
      %swap3A_43 = arith.constant 80 : index
      %swap3A_44 = tpu.vector_load %arg5[%swap3A_42, %swap3A_43] {strides = array<i32>} : memref<512x128xi32, #tpu.memory_space<vmem>>, vector<16xi32>,
      tpu.vector_store %arg5[%swap3A_42, %swap3A_43], %broadcast_in_dim3A_3 {strides = array<i32>} : memref<512x128xi32, #tpu.memory_space<vmem>>, vector<16xi32>,
      %swap3A_45 = arith.index_cast %scan3A_27 : i32 to index
      %swap3A_46 = arith.constant 96 : index
      %swap3A_47 = tpu.vector_load %arg5[%swap3A_45, %swap3A_46] {strides = array<i32>} : memref<512x128xi32, #tpu.memory_space<vmem>>, vector<16xi32>,
      tpu.vector_store %arg5[%swap3A_45, %swap3A_46], %broadcast_in_dim3A_3 {strides = array<i32>} : memref<512x128xi32, #tpu.memory_space<vmem>>, vector<16xi32>,
      %swap3A_48 = arith.index_cast %scan3A_27 : i32 to index
      %swap3A_49 = arith.constant 112 : index
      %swap3A_50 = tpu.vector_load %arg5[%swap3A_48, %swap3A_49] {strides = array<i32>} : memref<512x128xi32, #tpu.memory_space<vmem>>, vector<16xi32>,
      tpu.vector_store %arg5[%swap3A_48, %swap3A_49], %broadcast_in_dim3A_3 {strides = array<i32>} : memref<512x128xi32, #tpu.memory_space<vmem>>, vector<16xi32>,
    }
    %scan3A_10 = arith.constant 512 : i32
    %add3A_11 = arith.constant 0 : i32
    %add3A_12 = arith.addi %mul3A_2, %add3A_11 : i32
    "tpu.region"() ({
      %run_scoped3A = tpu.sem_alloc : memref<!tpu.dma_semaphore, #tpu.memory_space<semaphore_mem>>
      %dma_start3A = arith.constant 0 : i32
      %dma_start3A_27 = tpu.memref_slice %arg2[%add3A_12, %dma_start3A] : memref<4096x513xi32, #tpu.memory_space<hbm>> -> memref<64x513xi32, #tpu.memory_space<hbm>>
      %dma_start3A_28 = arith.constant 0 : i32
      %dma_start3A_29 = tpu.memref_slice %arg2[%add3A_12, %dma_start3A_28] : memref<4096x513xi32, #tpu.memory_space<hbm>> -> memref<64x513xi32, #tpu.memory_space<hbm>>
      tpu.enqueue_dma source(%dma_start3A_29 : memref<64x513xi32, #tpu.memory_space<hbm>>) target(%arg4 : memref<64x513xi32, #tpu.memory_space<vmem>>) target_semaphore(%run_scoped3A : memref<!tpu.dma_semaphore, #tpu.memory_space<semaphore_mem>>)
      %dma_wait3A = arith.constant 0 : i32
      %dma_wait3A_30 = tpu.memref_slice %arg2[%add3A_12, %dma_wait3A] : memref<4096x513xi32, #tpu.memory_space<hbm>> -> memref<64x513xi32, #tpu.memory_space<hbm>>
      %dma_wait3A_31 = arith.constant 0 : i32
      %dma_wait3A_32 = tpu.memref_slice %arg2[%add3A_12, %dma_wait3A_31] : memref<4096x513xi32, #tpu.memory_space<hbm>> -> memref<64x513xi32, #tpu.memory_space<hbm>>
      tpu.wait_dma2 semaphore(%run_scoped3A : memref<!tpu.dma_semaphore, #tpu.memory_space<semaphore_mem>>) src(%dma_wait3A_32 : memref<64x513xi32, #tpu.memory_space<hbm>>) dst(%arg4 : memref<64x513xi32, #tpu.memory_space<vmem>>)
      tpu.yield
    }) : () -> ()
    %scan3A_13 = arith.constant 0 : i32
    %scan3A_14 = arith.constant 0 : i32
    %scan3A_15 = arith.constant 64 : i32
    %scan3A_16 = arith.addi %scan3A_14, %scan3A_15 : i32
    %scan3A_17 = arith.constant 1 : i32
    scf.for %scan3A_27 = %scan3A_14 to %scan3A_16 step %scan3A_17  : i32 {
      %get3A = arith.index_cast %scan3A_27 : i32 to index
      %get3A_28 = arith.constant 0 : index
      %get3A_29 = tpu.vector_load %arg4[%get3A, %get3A_28] {strides = array<i32>} : memref<64x513xi32, #tpu.memory_space<vmem>>, vector<16xi32>,
      %slice3A = vector.extract_strided_slice %get3A_29 {offsets = [0], sizes = [1], strides = [1]} : vector<16xi32> to vector<1xi32>
      %squeeze3A = vector.extract %slice3A[0] : i32 from vector<1xi32>
      %add3A_30 = arith.constant 0 : i32
      %add3A_31 = arith.addi %add3A_30, %scan3A_27 : i32
      %broadcast_in_dim3A_32 = arith.constant 0 : i32
      %broadcast_in_dim3A_33 = vector.broadcast %broadcast_in_dim3A_32 : i32 to vector<16xi32>
      %add3A_34 = vector.broadcast %add3A_31 : i32 to vector<16xi32>
      %add3A_35 = arith.addi %broadcast_in_dim3A_33, %add3A_34 : vector<16xi32>
      %broadcast_in_dim3A_36 = arith.constant 0 : i32
      %broadcast_in_dim3A_37 = vector.broadcast %broadcast_in_dim3A_36 : i32 to vector<16xi32>
      %add3A_38 = vector.broadcast %scan3A_27 : i32 to vector<16xi32>
      %add3A_39 = arith.addi %broadcast_in_dim3A_37, %add3A_38 : vector<16xi32>
      %scan3A_40 = arith.constant 0 : i32
      %scan3A_41 = arith.constant 0 : i32
      %scan3A_42 = arith.constant 32 : i32
      %scan3A_43 = arith.addi %scan3A_41, %scan3A_42 : i32
      %scan3A_44 = arith.constant 1 : i32
      scf.for %scan3A_46 = %scan3A_41 to %scan3A_43 step %scan3A_44  : i32 {
        %mul3A_47 = arith.constant 16 : i32
        %mul3A_48 = arith.muli %scan3A_46, %mul3A_47 : i32
        %add3A_49 = arith.constant 1 : i32
        %add3A_50 = arith.addi %add3A_49, %mul3A_48 : i32
        %add3A_51 = vector.broadcast %add3A_50 : i32 to vector<16xi32>
        %add3A_52 = arith.addi %add3A_51, %iota3A : vector<16xi32>
        %gather3A = tpu.vector_load_idx %arg4[%add3A_39, %add3A_52] : memref<64x513xi32, #tpu.memory_space<vmem>>[vector<16xi32>, vector<16xi32>], vector<16xi32>,
        %mul3A_53 = arith.constant 16 : i32
        %mul3A_54 = arith.muli %scan3A_46, %mul3A_53 : i32
        %add3A_55 = vector.broadcast %mul3A_54 : i32 to vector<16xi32>
        %add3A_56 = arith.addi %add3A_55, %iota3A : vector<16xi32>
        %lt3A = vector.broadcast %squeeze3A : i32 to vector<16xi32>
        %lt3A_57 = arith.cmpi slt, %add3A_56, %lt3A : vector<16xi32>
        tpu.vector_store_idx %arg5[%gather3A, %add3A_35], %broadcast_in_dim3A_5 masked %lt3A_57 : memref<512x128xi32, #tpu.memory_space<vmem>>[vector<16xi32>, vector<16xi32>], vector<16xi32>, vector<16xi1>
      }
      %scan3A_45 = arith.constant 32 : i32
    }
    %scan3A_18 = arith.constant 64 : i32
    %add3A_19 = arith.constant 64 : i32
    %add3A_20 = arith.addi %mul3A_2, %add3A_19 : i32
    "tpu.region"() ({
      %run_scoped3A = tpu.sem_alloc : memref<!tpu.dma_semaphore, #tpu.memory_space<semaphore_mem>>
      %dma_start3A = arith.constant 0 : i32
      %dma_start3A_27 = tpu.memref_slice %arg2[%add3A_20, %dma_start3A] : memref<4096x513xi32, #tpu.memory_space<hbm>> -> memref<64x513xi32, #tpu.memory_space<hbm>>
      %dma_start3A_28 = arith.constant 0 : i32
      %dma_start3A_29 = tpu.memref_slice %arg2[%add3A_20, %dma_start3A_28] : memref<4096x513xi32, #tpu.memory_space<hbm>> -> memref<64x513xi32, #tpu.memory_space<hbm>>
      tpu.enqueue_dma source(%dma_start3A_29 : memref<64x513xi32, #tpu.memory_space<hbm>>) target(%arg4 : memref<64x513xi32, #tpu.memory_space<vmem>>) target_semaphore(%run_scoped3A : memref<!tpu.dma_semaphore, #tpu.memory_space<semaphore_mem>>)
      %dma_wait3A = arith.constant 0 : i32
      %dma_wait3A_30 = tpu.memref_slice %arg2[%add3A_20, %dma_wait3A] : memref<4096x513xi32, #tpu.memory_space<hbm>> -> memref<64x513xi32, #tpu.memory_space<hbm>>
      %dma_wait3A_31 = arith.constant 0 : i32
      %dma_wait3A_32 = tpu.memref_slice %arg2[%add3A_20, %dma_wait3A_31] : memref<4096x513xi32, #tpu.memory_space<hbm>> -> memref<64x513xi32, #tpu.memory_space<hbm>>
      tpu.wait_dma2 semaphore(%run_scoped3A : memref<!tpu.dma_semaphore, #tpu.memory_space<semaphore_mem>>) src(%dma_wait3A_32 : memref<64x513xi32, #tpu.memory_space<hbm>>) dst(%arg4 : memref<64x513xi32, #tpu.memory_space<vmem>>)
      tpu.yield
    }) : () -> ()
    %scan3A_21 = arith.constant 0 : i32
    %scan3A_22 = arith.constant 0 : i32
    %scan3A_23 = arith.constant 64 : i32
    %scan3A_24 = arith.addi %scan3A_22, %scan3A_23 : i32
    %scan3A_25 = arith.constant 1 : i32
    scf.for %scan3A_27 = %scan3A_22 to %scan3A_24 step %scan3A_25  : i32 {
      %get3A = arith.index_cast %scan3A_27 : i32 to index
      %get3A_28 = arith.constant 0 : index
      %get3A_29 = tpu.vector_load %arg4[%get3A, %get3A_28] {strides = array<i32>} : memref<64x513xi32, #tpu.memory_space<vmem>>, vector<16xi32>,
      %slice3A = vector.extract_strided_slice %get3A_29 {offsets = [0], sizes = [1], strides = [1]} : vector<16xi32> to vector<1xi32>
      %squeeze3A = vector.extract %slice3A[0] : i32 from vector<1xi32>
      %add3A_30 = arith.constant 64 : i32
      %add3A_31 = arith.addi %add3A_30, %scan3A_27 : i32
      %broadcast_in_dim3A_32 = arith.constant 0 : i32
      %broadcast_in_dim3A_33 = vector.broadcast %broadcast_in_dim3A_32 : i32 to vector<16xi32>
      %add3A_34 = vector.broadcast %add3A_31 : i32 to vector<16xi32>
      %add3A_35 = arith.addi %broadcast_in_dim3A_33, %add3A_34 : vector<16xi32>
      %broadcast_in_dim3A_36 = arith.constant 0 : i32
      %broadcast_in_dim3A_37 = vector.broadcast %broadcast_in_dim3A_36 : i32 to vector<16xi32>
      %add3A_38 = vector.broadcast %scan3A_27 : i32 to vector<16xi32>
      %add3A_39 = arith.addi %broadcast_in_dim3A_37, %add3A_38 : vector<16xi32>
      %scan3A_40 = arith.constant 0 : i32
      %scan3A_41 = arith.constant 0 : i32
      %scan3A_42 = arith.constant 32 : i32
      %scan3A_43 = arith.addi %scan3A_41, %scan3A_42 : i32
      %scan3A_44 = arith.constant 1 : i32
      scf.for %scan3A_46 = %scan3A_41 to %scan3A_43 step %scan3A_44  : i32 {
        %mul3A_47 = arith.constant 16 : i32
        %mul3A_48 = arith.muli %scan3A_46, %mul3A_47 : i32
        %add3A_49 = arith.constant 1 : i32
        %add3A_50 = arith.addi %add3A_49, %mul3A_48 : i32
        %add3A_51 = vector.broadcast %add3A_50 : i32 to vector<16xi32>
        %add3A_52 = arith.addi %add3A_51, %iota3A : vector<16xi32>
        %gather3A = tpu.vector_load_idx %arg4[%add3A_39, %add3A_52] : memref<64x513xi32, #tpu.memory_space<vmem>>[vector<16xi32>, vector<16xi32>], vector<16xi32>,
        %mul3A_53 = arith.constant 16 : i32
        %mul3A_54 = arith.muli %scan3A_46, %mul3A_53 : i32
        %add3A_55 = vector.broadcast %mul3A_54 : i32 to vector<16xi32>
        %add3A_56 = arith.addi %add3A_55, %iota3A : vector<16xi32>
        %lt3A = vector.broadcast %squeeze3A : i32 to vector<16xi32>
        %lt3A_57 = arith.cmpi slt, %add3A_56, %lt3A : vector<16xi32>
        tpu.vector_store_idx %arg5[%gather3A, %add3A_35], %broadcast_in_dim3A_5 masked %lt3A_57 : memref<512x128xi32, #tpu.memory_space<vmem>>[vector<16xi32>, vector<16xi32>], vector<16xi32>, vector<16xi1>
      }
      %scan3A_45 = arith.constant 32 : i32
    }
    %scan3A_26 = arith.constant 64 : i32
    "tpu.region"() ({
      %run_scoped3A = tpu.sem_alloc : memref<!tpu.dma_semaphore, #tpu.memory_space<semaphore_mem>>
      %dma_start3A = arith.constant 0 : i32
      %dma_start3A_27 = tpu.memref_slice %arg3[%dma_start3A, %mul3A_2] : memref<512x4096xi32, #tpu.memory_space<hbm>> -> memref<512x128xi32, #tpu.memory_space<hbm>>
      %dma_start3A_28 = arith.constant 0 : i32
      %dma_start3A_29 = tpu.memref_slice %arg3[%dma_start3A_28, %mul3A_2] : memref<512x4096xi32, #tpu.memory_space<hbm>> -> memref<512x128xi32, #tpu.memory_space<hbm>>
      tpu.enqueue_dma source(%arg5 : memref<512x128xi32, #tpu.memory_space<vmem>>) target(%dma_start3A_29 : memref<512x128xi32, #tpu.memory_space<hbm>>) target_semaphore(%run_scoped3A : memref<!tpu.dma_semaphore, #tpu.memory_space<semaphore_mem>>)
      %dma_wait3A = arith.constant 0 : i32
      %dma_wait3A_30 = tpu.memref_slice %arg3[%dma_wait3A, %mul3A_2] : memref<512x4096xi32, #tpu.memory_space<hbm>> -> memref<512x128xi32, #tpu.memory_space<hbm>>
      %dma_wait3A_31 = arith.constant 0 : i32
      %dma_wait3A_32 = tpu.memref_slice %arg3[%dma_wait3A_31, %mul3A_2] : memref<512x4096xi32, #tpu.memory_space<hbm>> -> memref<512x128xi32, #tpu.memory_space<hbm>>
      tpu.wait_dma2 semaphore(%run_scoped3A : memref<!tpu.dma_semaphore, #tpu.memory_space<semaphore_mem>>) src(%arg5 : memref<512x128xi32, #tpu.memory_space<vmem>>) dst(%dma_wait3A_32 : memref<512x128xi32, #tpu.memory_space<hbm>>)
      tpu.yield
    }) : () -> ()
    return
  }
}

module attributes {stable_mosaic.version = 14 : i64} {
  func.func @_fill_body(%arg0: memref<33344x4096xf32, #tpu.memory_space<any>>, %arg1: memref<1024x4096xf32, #tpu.memory_space<vmem>>, %arg2: memref<8x!tpu.dma_semaphore, #tpu.memory_space<semaphore_mem>>) attributes {dimension_semantics = [], scalar_prefetch = 0 : i64, scratch_operands = 2 : i64, tpu.core_type = #tpu.core_type<tc>} {
    %broadcast_in_dim3A = arith.constant -1.000000e+04 : f32
    %broadcast_in_dim3A_0 = vector.broadcast %broadcast_in_dim3A : f32 to vector<1024x4096xf32>
    %swap3A = arith.constant 0 : index
    %swap3A_1 = arith.constant 0 : index
    %swap3A_2 = vector.load %arg1[%swap3A, %swap3A_1] : memref<1024x4096xf32, #tpu.memory_space<vmem>>, vector<1024x4096xf32>
    tpu.vector_store %arg1[%swap3A, %swap3A_1], %broadcast_in_dim3A_0 {strides = array<i32>} : memref<1024x4096xf32, #tpu.memory_space<vmem>>, vector<1024x4096xf32>,
    %dma_start3A = arith.constant 0 : i32
    %dma_start3A_3 = tpu.memref_slice %arg2[%dma_start3A] : memref<8x!tpu.dma_semaphore, #tpu.memory_space<semaphore_mem>> -> memref<1x!tpu.dma_semaphore, #tpu.memory_space<semaphore_mem>>
    %dma_start3A_4 = tpu.memref_squeeze %dma_start3A_3 : memref<1x!tpu.dma_semaphore, #tpu.memory_space<semaphore_mem>> -> memref<!tpu.dma_semaphore, #tpu.memory_space<semaphore_mem>>
    %dma_start3A_5 = arith.constant 0 : i32
    %dma_start3A_6 = arith.constant 0 : i32
    %dma_start3A_7 = tpu.memref_slice %arg0[%dma_start3A_5, %dma_start3A_6] : memref<33344x4096xf32, #tpu.memory_space<any>> -> memref<1024x4096xf32, #tpu.memory_space<any>>
    %dma_start3A_8 = arith.constant 0 : i32
    %dma_start3A_9 = arith.constant 0 : i32
    %dma_start3A_10 = tpu.memref_slice %arg1[%dma_start3A_8, %dma_start3A_9] : memref<1024x4096xf32, #tpu.memory_space<vmem>> -> memref<1024x4096xf32, #tpu.memory_space<vmem>>
    tpu.enqueue_dma source(%dma_start3A_10 : memref<1024x4096xf32, #tpu.memory_space<vmem>>) target(%dma_start3A_7 : memref<1024x4096xf32, #tpu.memory_space<any>>) target_semaphore(%dma_start3A_4 : memref<!tpu.dma_semaphore, #tpu.memory_space<semaphore_mem>>)
    %dma_start3A_11 = arith.constant 1 : i32
    %dma_start3A_12 = tpu.memref_slice %arg2[%dma_start3A_11] : memref<8x!tpu.dma_semaphore, #tpu.memory_space<semaphore_mem>> -> memref<1x!tpu.dma_semaphore, #tpu.memory_space<semaphore_mem>>
    %dma_start3A_13 = tpu.memref_squeeze %dma_start3A_12 : memref<1x!tpu.dma_semaphore, #tpu.memory_space<semaphore_mem>> -> memref<!tpu.dma_semaphore, #tpu.memory_space<semaphore_mem>>
    %dma_start3A_14 = arith.constant 1024 : i32
    %dma_start3A_15 = arith.constant 0 : i32
    %dma_start3A_16 = tpu.memref_slice %arg0[%dma_start3A_14, %dma_start3A_15] : memref<33344x4096xf32, #tpu.memory_space<any>> -> memref<1024x4096xf32, #tpu.memory_space<any>>
    %dma_start3A_17 = arith.constant 0 : i32
    %dma_start3A_18 = arith.constant 0 : i32
    %dma_start3A_19 = tpu.memref_slice %arg1[%dma_start3A_17, %dma_start3A_18] : memref<1024x4096xf32, #tpu.memory_space<vmem>> -> memref<1024x4096xf32, #tpu.memory_space<vmem>>
    tpu.enqueue_dma source(%dma_start3A_19 : memref<1024x4096xf32, #tpu.memory_space<vmem>>) target(%dma_start3A_16 : memref<1024x4096xf32, #tpu.memory_space<any>>) target_semaphore(%dma_start3A_13 : memref<!tpu.dma_semaphore, #tpu.memory_space<semaphore_mem>>)
    %dma_start3A_20 = arith.constant 2 : i32
    %dma_start3A_21 = tpu.memref_slice %arg2[%dma_start3A_20] : memref<8x!tpu.dma_semaphore, #tpu.memory_space<semaphore_mem>> -> memref<1x!tpu.dma_semaphore, #tpu.memory_space<semaphore_mem>>
    %dma_start3A_22 = tpu.memref_squeeze %dma_start3A_21 : memref<1x!tpu.dma_semaphore, #tpu.memory_space<semaphore_mem>> -> memref<!tpu.dma_semaphore, #tpu.memory_space<semaphore_mem>>
    %dma_start3A_23 = arith.constant 2048 : i32
    %dma_start3A_24 = arith.constant 0 : i32
    %dma_start3A_25 = tpu.memref_slice %arg0[%dma_start3A_23, %dma_start3A_24] : memref<33344x4096xf32, #tpu.memory_space<any>> -> memref<1024x4096xf32, #tpu.memory_space<any>>
    %dma_start3A_26 = arith.constant 0 : i32
    %dma_start3A_27 = arith.constant 0 : i32
    %dma_start3A_28 = tpu.memref_slice %arg1[%dma_start3A_26, %dma_start3A_27] : memref<1024x4096xf32, #tpu.memory_space<vmem>> -> memref<1024x4096xf32, #tpu.memory_space<vmem>>
    tpu.enqueue_dma source(%dma_start3A_28 : memref<1024x4096xf32, #tpu.memory_space<vmem>>) target(%dma_start3A_25 : memref<1024x4096xf32, #tpu.memory_space<any>>) target_semaphore(%dma_start3A_22 : memref<!tpu.dma_semaphore, #tpu.memory_space<semaphore_mem>>)
    %dma_start3A_29 = arith.constant 3 : i32
    %dma_start3A_30 = tpu.memref_slice %arg2[%dma_start3A_29] : memref<8x!tpu.dma_semaphore, #tpu.memory_space<semaphore_mem>> -> memref<1x!tpu.dma_semaphore, #tpu.memory_space<semaphore_mem>>
    %dma_start3A_31 = tpu.memref_squeeze %dma_start3A_30 : memref<1x!tpu.dma_semaphore, #tpu.memory_space<semaphore_mem>> -> memref<!tpu.dma_semaphore, #tpu.memory_space<semaphore_mem>>
    %dma_start3A_32 = arith.constant 3072 : i32
    %dma_start3A_33 = arith.constant 0 : i32
    %dma_start3A_34 = tpu.memref_slice %arg0[%dma_start3A_32, %dma_start3A_33] : memref<33344x4096xf32, #tpu.memory_space<any>> -> memref<1024x4096xf32, #tpu.memory_space<any>>
    %dma_start3A_35 = arith.constant 0 : i32
    %dma_start3A_36 = arith.constant 0 : i32
    %dma_start3A_37 = tpu.memref_slice %arg1[%dma_start3A_35, %dma_start3A_36] : memref<1024x4096xf32, #tpu.memory_space<vmem>> -> memref<1024x4096xf32, #tpu.memory_space<vmem>>
    tpu.enqueue_dma source(%dma_start3A_37 : memref<1024x4096xf32, #tpu.memory_space<vmem>>) target(%dma_start3A_34 : memref<1024x4096xf32, #tpu.memory_space<any>>) target_semaphore(%dma_start3A_31 : memref<!tpu.dma_semaphore, #tpu.memory_space<semaphore_mem>>)
    %dma_start3A_38 = arith.constant 4 : i32
    %dma_start3A_39 = tpu.memref_slice %arg2[%dma_start3A_38] : memref<8x!tpu.dma_semaphore, #tpu.memory_space<semaphore_mem>> -> memref<1x!tpu.dma_semaphore, #tpu.memory_space<semaphore_mem>>
    %dma_start3A_40 = tpu.memref_squeeze %dma_start3A_39 : memref<1x!tpu.dma_semaphore, #tpu.memory_space<semaphore_mem>> -> memref<!tpu.dma_semaphore, #tpu.memory_space<semaphore_mem>>
    %dma_start3A_41 = arith.constant 4096 : i32
    %dma_start3A_42 = arith.constant 0 : i32
    %dma_start3A_43 = tpu.memref_slice %arg0[%dma_start3A_41, %dma_start3A_42] : memref<33344x4096xf32, #tpu.memory_space<any>> -> memref<1024x4096xf32, #tpu.memory_space<any>>
    %dma_start3A_44 = arith.constant 0 : i32
    %dma_start3A_45 = arith.constant 0 : i32
    %dma_start3A_46 = tpu.memref_slice %arg1[%dma_start3A_44, %dma_start3A_45] : memref<1024x4096xf32, #tpu.memory_space<vmem>> -> memref<1024x4096xf32, #tpu.memory_space<vmem>>
    tpu.enqueue_dma source(%dma_start3A_46 : memref<1024x4096xf32, #tpu.memory_space<vmem>>) target(%dma_start3A_43 : memref<1024x4096xf32, #tpu.memory_space<any>>) target_semaphore(%dma_start3A_40 : memref<!tpu.dma_semaphore, #tpu.memory_space<semaphore_mem>>)
    %dma_start3A_47 = arith.constant 5 : i32
    %dma_start3A_48 = tpu.memref_slice %arg2[%dma_start3A_47] : memref<8x!tpu.dma_semaphore, #tpu.memory_space<semaphore_mem>> -> memref<1x!tpu.dma_semaphore, #tpu.memory_space<semaphore_mem>>
    %dma_start3A_49 = tpu.memref_squeeze %dma_start3A_48 : memref<1x!tpu.dma_semaphore, #tpu.memory_space<semaphore_mem>> -> memref<!tpu.dma_semaphore, #tpu.memory_space<semaphore_mem>>
    %dma_start3A_50 = arith.constant 5120 : i32
    %dma_start3A_51 = arith.constant 0 : i32
    %dma_start3A_52 = tpu.memref_slice %arg0[%dma_start3A_50, %dma_start3A_51] : memref<33344x4096xf32, #tpu.memory_space<any>> -> memref<1024x4096xf32, #tpu.memory_space<any>>
    %dma_start3A_53 = arith.constant 0 : i32
    %dma_start3A_54 = arith.constant 0 : i32
    %dma_start3A_55 = tpu.memref_slice %arg1[%dma_start3A_53, %dma_start3A_54] : memref<1024x4096xf32, #tpu.memory_space<vmem>> -> memref<1024x4096xf32, #tpu.memory_space<vmem>>
    tpu.enqueue_dma source(%dma_start3A_55 : memref<1024x4096xf32, #tpu.memory_space<vmem>>) target(%dma_start3A_52 : memref<1024x4096xf32, #tpu.memory_space<any>>) target_semaphore(%dma_start3A_49 : memref<!tpu.dma_semaphore, #tpu.memory_space<semaphore_mem>>)
    %dma_start3A_56 = arith.constant 6 : i32
    %dma_start3A_57 = tpu.memref_slice %arg2[%dma_start3A_56] : memref<8x!tpu.dma_semaphore, #tpu.memory_space<semaphore_mem>> -> memref<1x!tpu.dma_semaphore, #tpu.memory_space<semaphore_mem>>
    %dma_start3A_58 = tpu.memref_squeeze %dma_start3A_57 : memref<1x!tpu.dma_semaphore, #tpu.memory_space<semaphore_mem>> -> memref<!tpu.dma_semaphore, #tpu.memory_space<semaphore_mem>>
    %dma_start3A_59 = arith.constant 6144 : i32
    %dma_start3A_60 = arith.constant 0 : i32
    %dma_start3A_61 = tpu.memref_slice %arg0[%dma_start3A_59, %dma_start3A_60] : memref<33344x4096xf32, #tpu.memory_space<any>> -> memref<1024x4096xf32, #tpu.memory_space<any>>
    %dma_start3A_62 = arith.constant 0 : i32
    %dma_start3A_63 = arith.constant 0 : i32
    %dma_start3A_64 = tpu.memref_slice %arg1[%dma_start3A_62, %dma_start3A_63] : memref<1024x4096xf32, #tpu.memory_space<vmem>> -> memref<1024x4096xf32, #tpu.memory_space<vmem>>
    tpu.enqueue_dma source(%dma_start3A_64 : memref<1024x4096xf32, #tpu.memory_space<vmem>>) target(%dma_start3A_61 : memref<1024x4096xf32, #tpu.memory_space<any>>) target_semaphore(%dma_start3A_58 : memref<!tpu.dma_semaphore, #tpu.memory_space<semaphore_mem>>)
    %dma_start3A_65 = arith.constant 7 : i32
    %dma_start3A_66 = tpu.memref_slice %arg2[%dma_start3A_65] : memref<8x!tpu.dma_semaphore, #tpu.memory_space<semaphore_mem>> -> memref<1x!tpu.dma_semaphore, #tpu.memory_space<semaphore_mem>>
    %dma_start3A_67 = tpu.memref_squeeze %dma_start3A_66 : memref<1x!tpu.dma_semaphore, #tpu.memory_space<semaphore_mem>> -> memref<!tpu.dma_semaphore, #tpu.memory_space<semaphore_mem>>
    %dma_start3A_68 = arith.constant 7168 : i32
    %dma_start3A_69 = arith.constant 0 : i32
    %dma_start3A_70 = tpu.memref_slice %arg0[%dma_start3A_68, %dma_start3A_69] : memref<33344x4096xf32, #tpu.memory_space<any>> -> memref<1024x4096xf32, #tpu.memory_space<any>>
    %dma_start3A_71 = arith.constant 0 : i32
    %dma_start3A_72 = arith.constant 0 : i32
    %dma_start3A_73 = tpu.memref_slice %arg1[%dma_start3A_71, %dma_start3A_72] : memref<1024x4096xf32, #tpu.memory_space<vmem>> -> memref<1024x4096xf32, #tpu.memory_space<vmem>>
    tpu.enqueue_dma source(%dma_start3A_73 : memref<1024x4096xf32, #tpu.memory_space<vmem>>) target(%dma_start3A_70 : memref<1024x4096xf32, #tpu.memory_space<any>>) target_semaphore(%dma_start3A_67 : memref<!tpu.dma_semaphore, #tpu.memory_space<semaphore_mem>>)
    %dma_wait3A = arith.constant 0 : i32
    %dma_wait3A_74 = tpu.memref_slice %arg2[%dma_wait3A] : memref<8x!tpu.dma_semaphore, #tpu.memory_space<semaphore_mem>> -> memref<1x!tpu.dma_semaphore, #tpu.memory_space<semaphore_mem>>
    %dma_wait3A_75 = tpu.memref_squeeze %dma_wait3A_74 : memref<1x!tpu.dma_semaphore, #tpu.memory_space<semaphore_mem>> -> memref<!tpu.dma_semaphore, #tpu.memory_space<semaphore_mem>>
    %dma_wait3A_76 = arith.constant 0 : i32
    %dma_wait3A_77 = arith.constant 0 : i32
    %dma_wait3A_78 = tpu.memref_slice %arg0[%dma_wait3A_76, %dma_wait3A_77] : memref<33344x4096xf32, #tpu.memory_space<any>> -> memref<1024x4096xf32, #tpu.memory_space<any>>
    %dma_wait3A_79 = arith.constant 0 : i32
    %dma_wait3A_80 = arith.constant 0 : i32
    %dma_wait3A_81 = tpu.memref_slice %arg1[%dma_wait3A_79, %dma_wait3A_80] : memref<1024x4096xf32, #tpu.memory_space<vmem>> -> memref<1024x4096xf32, #tpu.memory_space<vmem>>
    tpu.wait_dma2 semaphore(%dma_wait3A_75 : memref<!tpu.dma_semaphore, #tpu.memory_space<semaphore_mem>>) src(%dma_wait3A_81 : memref<1024x4096xf32, #tpu.memory_space<vmem>>) dst(%dma_wait3A_78 : memref<1024x4096xf32, #tpu.memory_space<any>>)
    %dma_start3A_82 = arith.constant 0 : i32
    %dma_start3A_83 = tpu.memref_slice %arg2[%dma_start3A_82] : memref<8x!tpu.dma_semaphore, #tpu.memory_space<semaphore_mem>> -> memref<1x!tpu.dma_semaphore, #tpu.memory_space<semaphore_mem>>
    %dma_start3A_84 = tpu.memref_squeeze %dma_start3A_83 : memref<1x!tpu.dma_semaphore, #tpu.memory_space<semaphore_mem>> -> memref<!tpu.dma_semaphore, #tpu.memory_space<semaphore_mem>>
    %dma_start3A_85 = arith.constant 8192 : i32
    %dma_start3A_86 = arith.constant 0 : i32
    %dma_start3A_87 = tpu.memref_slice %arg0[%dma_start3A_85, %dma_start3A_86] : memref<33344x4096xf32, #tpu.memory_space<any>> -> memref<1024x4096xf32, #tpu.memory_space<any>>
    %dma_start3A_88 = arith.constant 0 : i32
    %dma_start3A_89 = arith.constant 0 : i32
    %dma_start3A_90 = tpu.memref_slice %arg1[%dma_start3A_88, %dma_start3A_89] : memref<1024x4096xf32, #tpu.memory_space<vmem>> -> memref<1024x4096xf32, #tpu.memory_space<vmem>>
    tpu.enqueue_dma source(%dma_start3A_90 : memref<1024x4096xf32, #tpu.memory_space<vmem>>) target(%dma_start3A_87 : memref<1024x4096xf32, #tpu.memory_space<any>>) target_semaphore(%dma_start3A_84 : memref<!tpu.dma_semaphore, #tpu.memory_space<semaphore_mem>>)
    %dma_wait3A_91 = arith.constant 1 : i32
    %dma_wait3A_92 = tpu.memref_slice %arg2[%dma_wait3A_91] : memref<8x!tpu.dma_semaphore, #tpu.memory_space<semaphore_mem>> -> memref<1x!tpu.dma_semaphore, #tpu.memory_space<semaphore_mem>>
    %dma_wait3A_93 = tpu.memref_squeeze %dma_wait3A_92 : memref<1x!tpu.dma_semaphore, #tpu.memory_space<semaphore_mem>> -> memref<!tpu.dma_semaphore, #tpu.memory_space<semaphore_mem>>
    %dma_wait3A_94 = arith.constant 1024 : i32
    %dma_wait3A_95 = arith.constant 0 : i32
    %dma_wait3A_96 = tpu.memref_slice %arg0[%dma_wait3A_94, %dma_wait3A_95] : memref<33344x4096xf32, #tpu.memory_space<any>> -> memref<1024x4096xf32, #tpu.memory_space<any>>
    %dma_wait3A_97 = arith.constant 0 : i32
    %dma_wait3A_98 = arith.constant 0 : i32
    %dma_wait3A_99 = tpu.memref_slice %arg1[%dma_wait3A_97, %dma_wait3A_98] : memref<1024x4096xf32, #tpu.memory_space<vmem>> -> memref<1024x4096xf32, #tpu.memory_space<vmem>>
    tpu.wait_dma2 semaphore(%dma_wait3A_93 : memref<!tpu.dma_semaphore, #tpu.memory_space<semaphore_mem>>) src(%dma_wait3A_99 : memref<1024x4096xf32, #tpu.memory_space<vmem>>) dst(%dma_wait3A_96 : memref<1024x4096xf32, #tpu.memory_space<any>>)
    %dma_start3A_100 = arith.constant 1 : i32
    %dma_start3A_101 = tpu.memref_slice %arg2[%dma_start3A_100] : memref<8x!tpu.dma_semaphore, #tpu.memory_space<semaphore_mem>> -> memref<1x!tpu.dma_semaphore, #tpu.memory_space<semaphore_mem>>
    %dma_start3A_102 = tpu.memref_squeeze %dma_start3A_101 : memref<1x!tpu.dma_semaphore, #tpu.memory_space<semaphore_mem>> -> memref<!tpu.dma_semaphore, #tpu.memory_space<semaphore_mem>>
    %dma_start3A_103 = arith.constant 9216 : i32
    %dma_start3A_104 = arith.constant 0 : i32
    %dma_start3A_105 = tpu.memref_slice %arg0[%dma_start3A_103, %dma_start3A_104] : memref<33344x4096xf32, #tpu.memory_space<any>> -> memref<1024x4096xf32, #tpu.memory_space<any>>
    %dma_start3A_106 = arith.constant 0 : i32
    %dma_start3A_107 = arith.constant 0 : i32
    %dma_start3A_108 = tpu.memref_slice %arg1[%dma_start3A_106, %dma_start3A_107] : memref<1024x4096xf32, #tpu.memory_space<vmem>> -> memref<1024x4096xf32, #tpu.memory_space<vmem>>
    tpu.enqueue_dma source(%dma_start3A_108 : memref<1024x4096xf32, #tpu.memory_space<vmem>>) target(%dma_start3A_105 : memref<1024x4096xf32, #tpu.memory_space<any>>) target_semaphore(%dma_start3A_102 : memref<!tpu.dma_semaphore, #tpu.memory_space<semaphore_mem>>)
    %dma_wait3A_109 = arith.constant 2 : i32
    %dma_wait3A_110 = tpu.memref_slice %arg2[%dma_wait3A_109] : memref<8x!tpu.dma_semaphore, #tpu.memory_space<semaphore_mem>> -> memref<1x!tpu.dma_semaphore, #tpu.memory_space<semaphore_mem>>
    %dma_wait3A_111 = tpu.memref_squeeze %dma_wait3A_110 : memref<1x!tpu.dma_semaphore, #tpu.memory_space<semaphore_mem>> -> memref<!tpu.dma_semaphore, #tpu.memory_space<semaphore_mem>>
    %dma_wait3A_112 = arith.constant 2048 : i32
    %dma_wait3A_113 = arith.constant 0 : i32
    %dma_wait3A_114 = tpu.memref_slice %arg0[%dma_wait3A_112, %dma_wait3A_113] : memref<33344x4096xf32, #tpu.memory_space<any>> -> memref<1024x4096xf32, #tpu.memory_space<any>>
    %dma_wait3A_115 = arith.constant 0 : i32
    %dma_wait3A_116 = arith.constant 0 : i32
    %dma_wait3A_117 = tpu.memref_slice %arg1[%dma_wait3A_115, %dma_wait3A_116] : memref<1024x4096xf32, #tpu.memory_space<vmem>> -> memref<1024x4096xf32, #tpu.memory_space<vmem>>
    tpu.wait_dma2 semaphore(%dma_wait3A_111 : memref<!tpu.dma_semaphore, #tpu.memory_space<semaphore_mem>>) src(%dma_wait3A_117 : memref<1024x4096xf32, #tpu.memory_space<vmem>>) dst(%dma_wait3A_114 : memref<1024x4096xf32, #tpu.memory_space<any>>)
    %dma_start3A_118 = arith.constant 2 : i32
    %dma_start3A_119 = tpu.memref_slice %arg2[%dma_start3A_118] : memref<8x!tpu.dma_semaphore, #tpu.memory_space<semaphore_mem>> -> memref<1x!tpu.dma_semaphore, #tpu.memory_space<semaphore_mem>>
    %dma_start3A_120 = tpu.memref_squeeze %dma_start3A_119 : memref<1x!tpu.dma_semaphore, #tpu.memory_space<semaphore_mem>> -> memref<!tpu.dma_semaphore, #tpu.memory_space<semaphore_mem>>
    %dma_start3A_121 = arith.constant 10240 : i32
    %dma_start3A_122 = arith.constant 0 : i32
    %dma_start3A_123 = tpu.memref_slice %arg0[%dma_start3A_121, %dma_start3A_122] : memref<33344x4096xf32, #tpu.memory_space<any>> -> memref<1024x4096xf32, #tpu.memory_space<any>>
    %dma_start3A_124 = arith.constant 0 : i32
    %dma_start3A_125 = arith.constant 0 : i32
    %dma_start3A_126 = tpu.memref_slice %arg1[%dma_start3A_124, %dma_start3A_125] : memref<1024x4096xf32, #tpu.memory_space<vmem>> -> memref<1024x4096xf32, #tpu.memory_space<vmem>>
    tpu.enqueue_dma source(%dma_start3A_126 : memref<1024x4096xf32, #tpu.memory_space<vmem>>) target(%dma_start3A_123 : memref<1024x4096xf32, #tpu.memory_space<any>>) target_semaphore(%dma_start3A_120 : memref<!tpu.dma_semaphore, #tpu.memory_space<semaphore_mem>>)
    %dma_wait3A_127 = arith.constant 3 : i32
    %dma_wait3A_128 = tpu.memref_slice %arg2[%dma_wait3A_127] : memref<8x!tpu.dma_semaphore, #tpu.memory_space<semaphore_mem>> -> memref<1x!tpu.dma_semaphore, #tpu.memory_space<semaphore_mem>>
    %dma_wait3A_129 = tpu.memref_squeeze %dma_wait3A_128 : memref<1x!tpu.dma_semaphore, #tpu.memory_space<semaphore_mem>> -> memref<!tpu.dma_semaphore, #tpu.memory_space<semaphore_mem>>
    %dma_wait3A_130 = arith.constant 3072 : i32
    %dma_wait3A_131 = arith.constant 0 : i32
    %dma_wait3A_132 = tpu.memref_slice %arg0[%dma_wait3A_130, %dma_wait3A_131] : memref<33344x4096xf32, #tpu.memory_space<any>> -> memref<1024x4096xf32, #tpu.memory_space<any>>
    %dma_wait3A_133 = arith.constant 0 : i32
    %dma_wait3A_134 = arith.constant 0 : i32
    %dma_wait3A_135 = tpu.memref_slice %arg1[%dma_wait3A_133, %dma_wait3A_134] : memref<1024x4096xf32, #tpu.memory_space<vmem>> -> memref<1024x4096xf32, #tpu.memory_space<vmem>>
    tpu.wait_dma2 semaphore(%dma_wait3A_129 : memref<!tpu.dma_semaphore, #tpu.memory_space<semaphore_mem>>) src(%dma_wait3A_135 : memref<1024x4096xf32, #tpu.memory_space<vmem>>) dst(%dma_wait3A_132 : memref<1024x4096xf32, #tpu.memory_space<any>>)
    %dma_start3A_136 = arith.constant 3 : i32
    %dma_start3A_137 = tpu.memref_slice %arg2[%dma_start3A_136] : memref<8x!tpu.dma_semaphore, #tpu.memory_space<semaphore_mem>> -> memref<1x!tpu.dma_semaphore, #tpu.memory_space<semaphore_mem>>
    %dma_start3A_138 = tpu.memref_squeeze %dma_start3A_137 : memref<1x!tpu.dma_semaphore, #tpu.memory_space<semaphore_mem>> -> memref<!tpu.dma_semaphore, #tpu.memory_space<semaphore_mem>>
    %dma_start3A_139 = arith.constant 11264 : i32
    %dma_start3A_140 = arith.constant 0 : i32
    %dma_start3A_141 = tpu.memref_slice %arg0[%dma_start3A_139, %dma_start3A_140] : memref<33344x4096xf32, #tpu.memory_space<any>> -> memref<1024x4096xf32, #tpu.memory_space<any>>
    %dma_start3A_142 = arith.constant 0 : i32
    %dma_start3A_143 = arith.constant 0 : i32
    %dma_start3A_144 = tpu.memref_slice %arg1[%dma_start3A_142, %dma_start3A_143] : memref<1024x4096xf32, #tpu.memory_space<vmem>> -> memref<1024x4096xf32, #tpu.memory_space<vmem>>
    tpu.enqueue_dma source(%dma_start3A_144 : memref<1024x4096xf32, #tpu.memory_space<vmem>>) target(%dma_start3A_141 : memref<1024x4096xf32, #tpu.memory_space<any>>) target_semaphore(%dma_start3A_138 : memref<!tpu.dma_semaphore, #tpu.memory_space<semaphore_mem>>)
    %dma_wait3A_145 = arith.constant 4 : i32
    %dma_wait3A_146 = tpu.memref_slice %arg2[%dma_wait3A_145] : memref<8x!tpu.dma_semaphore, #tpu.memory_space<semaphore_mem>> -> memref<1x!tpu.dma_semaphore, #tpu.memory_space<semaphore_mem>>
    %dma_wait3A_147 = tpu.memref_squeeze %dma_wait3A_146 : memref<1x!tpu.dma_semaphore, #tpu.memory_space<semaphore_mem>> -> memref<!tpu.dma_semaphore, #tpu.memory_space<semaphore_mem>>
    %dma_wait3A_148 = arith.constant 4096 : i32
    %dma_wait3A_149 = arith.constant 0 : i32
    %dma_wait3A_150 = tpu.memref_slice %arg0[%dma_wait3A_148, %dma_wait3A_149] : memref<33344x4096xf32, #tpu.memory_space<any>> -> memref<1024x4096xf32, #tpu.memory_space<any>>
    %dma_wait3A_151 = arith.constant 0 : i32
    %dma_wait3A_152 = arith.constant 0 : i32
    %dma_wait3A_153 = tpu.memref_slice %arg1[%dma_wait3A_151, %dma_wait3A_152] : memref<1024x4096xf32, #tpu.memory_space<vmem>> -> memref<1024x4096xf32, #tpu.memory_space<vmem>>
    tpu.wait_dma2 semaphore(%dma_wait3A_147 : memref<!tpu.dma_semaphore, #tpu.memory_space<semaphore_mem>>) src(%dma_wait3A_153 : memref<1024x4096xf32, #tpu.memory_space<vmem>>) dst(%dma_wait3A_150 : memref<1024x4096xf32, #tpu.memory_space<any>>)
    %dma_start3A_154 = arith.constant 4 : i32
    %dma_start3A_155 = tpu.memref_slice %arg2[%dma_start3A_154] : memref<8x!tpu.dma_semaphore, #tpu.memory_space<semaphore_mem>> -> memref<1x!tpu.dma_semaphore, #tpu.memory_space<semaphore_mem>>
    %dma_start3A_156 = tpu.memref_squeeze %dma_start3A_155 : memref<1x!tpu.dma_semaphore, #tpu.memory_space<semaphore_mem>> -> memref<!tpu.dma_semaphore, #tpu.memory_space<semaphore_mem>>
    %dma_start3A_157 = arith.constant 12288 : i32
    %dma_start3A_158 = arith.constant 0 : i32
    %dma_start3A_159 = tpu.memref_slice %arg0[%dma_start3A_157, %dma_start3A_158] : memref<33344x4096xf32, #tpu.memory_space<any>> -> memref<1024x4096xf32, #tpu.memory_space<any>>
    %dma_start3A_160 = arith.constant 0 : i32
    %dma_start3A_161 = arith.constant 0 : i32
    %dma_start3A_162 = tpu.memref_slice %arg1[%dma_start3A_160, %dma_start3A_161] : memref<1024x4096xf32, #tpu.memory_space<vmem>> -> memref<1024x4096xf32, #tpu.memory_space<vmem>>
    tpu.enqueue_dma source(%dma_start3A_162 : memref<1024x4096xf32, #tpu.memory_space<vmem>>) target(%dma_start3A_159 : memref<1024x4096xf32, #tpu.memory_space<any>>) target_semaphore(%dma_start3A_156 : memref<!tpu.dma_semaphore, #tpu.memory_space<semaphore_mem>>)
    %dma_wait3A_163 = arith.constant 5 : i32
    %dma_wait3A_164 = tpu.memref_slice %arg2[%dma_wait3A_163] : memref<8x!tpu.dma_semaphore, #tpu.memory_space<semaphore_mem>> -> memref<1x!tpu.dma_semaphore, #tpu.memory_space<semaphore_mem>>
    %dma_wait3A_165 = tpu.memref_squeeze %dma_wait3A_164 : memref<1x!tpu.dma_semaphore, #tpu.memory_space<semaphore_mem>> -> memref<!tpu.dma_semaphore, #tpu.memory_space<semaphore_mem>>
    %dma_wait3A_166 = arith.constant 5120 : i32
    %dma_wait3A_167 = arith.constant 0 : i32
    %dma_wait3A_168 = tpu.memref_slice %arg0[%dma_wait3A_166, %dma_wait3A_167] : memref<33344x4096xf32, #tpu.memory_space<any>> -> memref<1024x4096xf32, #tpu.memory_space<any>>
    %dma_wait3A_169 = arith.constant 0 : i32
    %dma_wait3A_170 = arith.constant 0 : i32
    %dma_wait3A_171 = tpu.memref_slice %arg1[%dma_wait3A_169, %dma_wait3A_170] : memref<1024x4096xf32, #tpu.memory_space<vmem>> -> memref<1024x4096xf32, #tpu.memory_space<vmem>>
    tpu.wait_dma2 semaphore(%dma_wait3A_165 : memref<!tpu.dma_semaphore, #tpu.memory_space<semaphore_mem>>) src(%dma_wait3A_171 : memref<1024x4096xf32, #tpu.memory_space<vmem>>) dst(%dma_wait3A_168 : memref<1024x4096xf32, #tpu.memory_space<any>>)
    %dma_start3A_172 = arith.constant 5 : i32
    %dma_start3A_173 = tpu.memref_slice %arg2[%dma_start3A_172] : memref<8x!tpu.dma_semaphore, #tpu.memory_space<semaphore_mem>> -> memref<1x!tpu.dma_semaphore, #tpu.memory_space<semaphore_mem>>
    %dma_start3A_174 = tpu.memref_squeeze %dma_start3A_173 : memref<1x!tpu.dma_semaphore, #tpu.memory_space<semaphore_mem>> -> memref<!tpu.dma_semaphore, #tpu.memory_space<semaphore_mem>>
    %dma_start3A_175 = arith.constant 13312 : i32
    %dma_start3A_176 = arith.constant 0 : i32
    %dma_start3A_177 = tpu.memref_slice %arg0[%dma_start3A_175, %dma_start3A_176] : memref<33344x4096xf32, #tpu.memory_space<any>> -> memref<1024x4096xf32, #tpu.memory_space<any>>
    %dma_start3A_178 = arith.constant 0 : i32
    %dma_start3A_179 = arith.constant 0 : i32
    %dma_start3A_180 = tpu.memref_slice %arg1[%dma_start3A_178, %dma_start3A_179] : memref<1024x4096xf32, #tpu.memory_space<vmem>> -> memref<1024x4096xf32, #tpu.memory_space<vmem>>
    tpu.enqueue_dma source(%dma_start3A_180 : memref<1024x4096xf32, #tpu.memory_space<vmem>>) target(%dma_start3A_177 : memref<1024x4096xf32, #tpu.memory_space<any>>) target_semaphore(%dma_start3A_174 : memref<!tpu.dma_semaphore, #tpu.memory_space<semaphore_mem>>)
    %dma_wait3A_181 = arith.constant 6 : i32
    %dma_wait3A_182 = tpu.memref_slice %arg2[%dma_wait3A_181] : memref<8x!tpu.dma_semaphore, #tpu.memory_space<semaphore_mem>> -> memref<1x!tpu.dma_semaphore, #tpu.memory_space<semaphore_mem>>
    %dma_wait3A_183 = tpu.memref_squeeze %dma_wait3A_182 : memref<1x!tpu.dma_semaphore, #tpu.memory_space<semaphore_mem>> -> memref<!tpu.dma_semaphore, #tpu.memory_space<semaphore_mem>>
    %dma_wait3A_184 = arith.constant 6144 : i32
    %dma_wait3A_185 = arith.constant 0 : i32
    %dma_wait3A_186 = tpu.memref_slice %arg0[%dma_wait3A_184, %dma_wait3A_185] : memref<33344x4096xf32, #tpu.memory_space<any>> -> memref<1024x4096xf32, #tpu.memory_space<any>>
    %dma_wait3A_187 = arith.constant 0 : i32
    %dma_wait3A_188 = arith.constant 0 : i32
    %dma_wait3A_189 = tpu.memref_slice %arg1[%dma_wait3A_187, %dma_wait3A_188] : memref<1024x4096xf32, #tpu.memory_space<vmem>> -> memref<1024x4096xf32, #tpu.memory_space<vmem>>
    tpu.wait_dma2 semaphore(%dma_wait3A_183 : memref<!tpu.dma_semaphore, #tpu.memory_space<semaphore_mem>>) src(%dma_wait3A_189 : memref<1024x4096xf32, #tpu.memory_space<vmem>>) dst(%dma_wait3A_186 : memref<1024x4096xf32, #tpu.memory_space<any>>)
    %dma_start3A_190 = arith.constant 6 : i32
    %dma_start3A_191 = tpu.memref_slice %arg2[%dma_start3A_190] : memref<8x!tpu.dma_semaphore, #tpu.memory_space<semaphore_mem>> -> memref<1x!tpu.dma_semaphore, #tpu.memory_space<semaphore_mem>>
    %dma_start3A_192 = tpu.memref_squeeze %dma_start3A_191 : memref<1x!tpu.dma_semaphore, #tpu.memory_space<semaphore_mem>> -> memref<!tpu.dma_semaphore, #tpu.memory_space<semaphore_mem>>
    %dma_start3A_193 = arith.constant 14336 : i32
    %dma_start3A_194 = arith.constant 0 : i32
    %dma_start3A_195 = tpu.memref_slice %arg0[%dma_start3A_193, %dma_start3A_194] : memref<33344x4096xf32, #tpu.memory_space<any>> -> memref<1024x4096xf32, #tpu.memory_space<any>>
    %dma_start3A_196 = arith.constant 0 : i32
    %dma_start3A_197 = arith.constant 0 : i32
    %dma_start3A_198 = tpu.memref_slice %arg1[%dma_start3A_196, %dma_start3A_197] : memref<1024x4096xf32, #tpu.memory_space<vmem>> -> memref<1024x4096xf32, #tpu.memory_space<vmem>>
    tpu.enqueue_dma source(%dma_start3A_198 : memref<1024x4096xf32, #tpu.memory_space<vmem>>) target(%dma_start3A_195 : memref<1024x4096xf32, #tpu.memory_space<any>>) target_semaphore(%dma_start3A_192 : memref<!tpu.dma_semaphore, #tpu.memory_space<semaphore_mem>>)
    %dma_wait3A_199 = arith.constant 7 : i32
    %dma_wait3A_200 = tpu.memref_slice %arg2[%dma_wait3A_199] : memref<8x!tpu.dma_semaphore, #tpu.memory_space<semaphore_mem>> -> memref<1x!tpu.dma_semaphore, #tpu.memory_space<semaphore_mem>>
    %dma_wait3A_201 = tpu.memref_squeeze %dma_wait3A_200 : memref<1x!tpu.dma_semaphore, #tpu.memory_space<semaphore_mem>> -> memref<!tpu.dma_semaphore, #tpu.memory_space<semaphore_mem>>
    %dma_wait3A_202 = arith.constant 7168 : i32
    %dma_wait3A_203 = arith.constant 0 : i32
    %dma_wait3A_204 = tpu.memref_slice %arg0[%dma_wait3A_202, %dma_wait3A_203] : memref<33344x4096xf32, #tpu.memory_space<any>> -> memref<1024x4096xf32, #tpu.memory_space<any>>
    %dma_wait3A_205 = arith.constant 0 : i32
    %dma_wait3A_206 = arith.constant 0 : i32
    %dma_wait3A_207 = tpu.memref_slice %arg1[%dma_wait3A_205, %dma_wait3A_206] : memref<1024x4096xf32, #tpu.memory_space<vmem>> -> memref<1024x4096xf32, #tpu.memory_space<vmem>>
    tpu.wait_dma2 semaphore(%dma_wait3A_201 : memref<!tpu.dma_semaphore, #tpu.memory_space<semaphore_mem>>) src(%dma_wait3A_207 : memref<1024x4096xf32, #tpu.memory_space<vmem>>) dst(%dma_wait3A_204 : memref<1024x4096xf32, #tpu.memory_space<any>>)
    %dma_start3A_208 = arith.constant 7 : i32
    %dma_start3A_209 = tpu.memref_slice %arg2[%dma_start3A_208] : memref<8x!tpu.dma_semaphore, #tpu.memory_space<semaphore_mem>> -> memref<1x!tpu.dma_semaphore, #tpu.memory_space<semaphore_mem>>
    %dma_start3A_210 = tpu.memref_squeeze %dma_start3A_209 : memref<1x!tpu.dma_semaphore, #tpu.memory_space<semaphore_mem>> -> memref<!tpu.dma_semaphore, #tpu.memory_space<semaphore_mem>>
    %dma_start3A_211 = arith.constant 15360 : i32
    %dma_start3A_212 = arith.constant 0 : i32
    %dma_start3A_213 = tpu.memref_slice %arg0[%dma_start3A_211, %dma_start3A_212] : memref<33344x4096xf32, #tpu.memory_space<any>> -> memref<1024x4096xf32, #tpu.memory_space<any>>
    %dma_start3A_214 = arith.constant 0 : i32
    %dma_start3A_215 = arith.constant 0 : i32
    %dma_start3A_216 = tpu.memref_slice %arg1[%dma_start3A_214, %dma_start3A_215] : memref<1024x4096xf32, #tpu.memory_space<vmem>> -> memref<1024x4096xf32, #tpu.memory_space<vmem>>
    tpu.enqueue_dma source(%dma_start3A_216 : memref<1024x4096xf32, #tpu.memory_space<vmem>>) target(%dma_start3A_213 : memref<1024x4096xf32, #tpu.memory_space<any>>) target_semaphore(%dma_start3A_210 : memref<!tpu.dma_semaphore, #tpu.memory_space<semaphore_mem>>)
    %dma_wait3A_217 = arith.constant 0 : i32
    %dma_wait3A_218 = tpu.memref_slice %arg2[%dma_wait3A_217] : memref<8x!tpu.dma_semaphore, #tpu.memory_space<semaphore_mem>> -> memref<1x!tpu.dma_semaphore, #tpu.memory_space<semaphore_mem>>
    %dma_wait3A_219 = tpu.memref_squeeze %dma_wait3A_218 : memref<1x!tpu.dma_semaphore, #tpu.memory_space<semaphore_mem>> -> memref<!tpu.dma_semaphore, #tpu.memory_space<semaphore_mem>>
    %dma_wait3A_220 = arith.constant 8192 : i32
    %dma_wait3A_221 = arith.constant 0 : i32
    %dma_wait3A_222 = tpu.memref_slice %arg0[%dma_wait3A_220, %dma_wait3A_221] : memref<33344x4096xf32, #tpu.memory_space<any>> -> memref<1024x4096xf32, #tpu.memory_space<any>>
    %dma_wait3A_223 = arith.constant 0 : i32
    %dma_wait3A_224 = arith.constant 0 : i32
    %dma_wait3A_225 = tpu.memref_slice %arg1[%dma_wait3A_223, %dma_wait3A_224] : memref<1024x4096xf32, #tpu.memory_space<vmem>> -> memref<1024x4096xf32, #tpu.memory_space<vmem>>
    tpu.wait_dma2 semaphore(%dma_wait3A_219 : memref<!tpu.dma_semaphore, #tpu.memory_space<semaphore_mem>>) src(%dma_wait3A_225 : memref<1024x4096xf32, #tpu.memory_space<vmem>>) dst(%dma_wait3A_222 : memref<1024x4096xf32, #tpu.memory_space<any>>)
    %dma_start3A_226 = arith.constant 0 : i32
    %dma_start3A_227 = tpu.memref_slice %arg2[%dma_start3A_226] : memref<8x!tpu.dma_semaphore, #tpu.memory_space<semaphore_mem>> -> memref<1x!tpu.dma_semaphore, #tpu.memory_space<semaphore_mem>>
    %dma_start3A_228 = tpu.memref_squeeze %dma_start3A_227 : memref<1x!tpu.dma_semaphore, #tpu.memory_space<semaphore_mem>> -> memref<!tpu.dma_semaphore, #tpu.memory_space<semaphore_mem>>
    %dma_start3A_229 = arith.constant 16384 : i32
    %dma_start3A_230 = arith.constant 0 : i32
    %dma_start3A_231 = tpu.memref_slice %arg0[%dma_start3A_229, %dma_start3A_230] : memref<33344x4096xf32, #tpu.memory_space<any>> -> memref<1024x4096xf32, #tpu.memory_space<any>>
    %dma_start3A_232 = arith.constant 0 : i32
    %dma_start3A_233 = arith.constant 0 : i32
    %dma_start3A_234 = tpu.memref_slice %arg1[%dma_start3A_232, %dma_start3A_233] : memref<1024x4096xf32, #tpu.memory_space<vmem>> -> memref<1024x4096xf32, #tpu.memory_space<vmem>>
    tpu.enqueue_dma source(%dma_start3A_234 : memref<1024x4096xf32, #tpu.memory_space<vmem>>) target(%dma_start3A_231 : memref<1024x4096xf32, #tpu.memory_space<any>>) target_semaphore(%dma_start3A_228 : memref<!tpu.dma_semaphore, #tpu.memory_space<semaphore_mem>>)
    %dma_wait3A_235 = arith.constant 1 : i32
    %dma_wait3A_236 = tpu.memref_slice %arg2[%dma_wait3A_235] : memref<8x!tpu.dma_semaphore, #tpu.memory_space<semaphore_mem>> -> memref<1x!tpu.dma_semaphore, #tpu.memory_space<semaphore_mem>>
    %dma_wait3A_237 = tpu.memref_squeeze %dma_wait3A_236 : memref<1x!tpu.dma_semaphore, #tpu.memory_space<semaphore_mem>> -> memref<!tpu.dma_semaphore, #tpu.memory_space<semaphore_mem>>
    %dma_wait3A_238 = arith.constant 9216 : i32
    %dma_wait3A_239 = arith.constant 0 : i32
    %dma_wait3A_240 = tpu.memref_slice %arg0[%dma_wait3A_238, %dma_wait3A_239] : memref<33344x4096xf32, #tpu.memory_space<any>> -> memref<1024x4096xf32, #tpu.memory_space<any>>
    %dma_wait3A_241 = arith.constant 0 : i32
    %dma_wait3A_242 = arith.constant 0 : i32
    %dma_wait3A_243 = tpu.memref_slice %arg1[%dma_wait3A_241, %dma_wait3A_242] : memref<1024x4096xf32, #tpu.memory_space<vmem>> -> memref<1024x4096xf32, #tpu.memory_space<vmem>>
    tpu.wait_dma2 semaphore(%dma_wait3A_237 : memref<!tpu.dma_semaphore, #tpu.memory_space<semaphore_mem>>) src(%dma_wait3A_243 : memref<1024x4096xf32, #tpu.memory_space<vmem>>) dst(%dma_wait3A_240 : memref<1024x4096xf32, #tpu.memory_space<any>>)
    %dma_start3A_244 = arith.constant 1 : i32
    %dma_start3A_245 = tpu.memref_slice %arg2[%dma_start3A_244] : memref<8x!tpu.dma_semaphore, #tpu.memory_space<semaphore_mem>> -> memref<1x!tpu.dma_semaphore, #tpu.memory_space<semaphore_mem>>
    %dma_start3A_246 = tpu.memref_squeeze %dma_start3A_245 : memref<1x!tpu.dma_semaphore, #tpu.memory_space<semaphore_mem>> -> memref<!tpu.dma_semaphore, #tpu.memory_space<semaphore_mem>>
    %dma_start3A_247 = arith.constant 17408 : i32
    %dma_start3A_248 = arith.constant 0 : i32
    %dma_start3A_249 = tpu.memref_slice %arg0[%dma_start3A_247, %dma_start3A_248] : memref<33344x4096xf32, #tpu.memory_space<any>> -> memref<1024x4096xf32, #tpu.memory_space<any>>
    %dma_start3A_250 = arith.constant 0 : i32
    %dma_start3A_251 = arith.constant 0 : i32
    %dma_start3A_252 = tpu.memref_slice %arg1[%dma_start3A_250, %dma_start3A_251] : memref<1024x4096xf32, #tpu.memory_space<vmem>> -> memref<1024x4096xf32, #tpu.memory_space<vmem>>
    tpu.enqueue_dma source(%dma_start3A_252 : memref<1024x4096xf32, #tpu.memory_space<vmem>>) target(%dma_start3A_249 : memref<1024x4096xf32, #tpu.memory_space<any>>) target_semaphore(%dma_start3A_246 : memref<!tpu.dma_semaphore, #tpu.memory_space<semaphore_mem>>)
    %dma_wait3A_253 = arith.constant 2 : i32
    %dma_wait3A_254 = tpu.memref_slice %arg2[%dma_wait3A_253] : memref<8x!tpu.dma_semaphore, #tpu.memory_space<semaphore_mem>> -> memref<1x!tpu.dma_semaphore, #tpu.memory_space<semaphore_mem>>
    %dma_wait3A_255 = tpu.memref_squeeze %dma_wait3A_254 : memref<1x!tpu.dma_semaphore, #tpu.memory_space<semaphore_mem>> -> memref<!tpu.dma_semaphore, #tpu.memory_space<semaphore_mem>>
    %dma_wait3A_256 = arith.constant 10240 : i32
    %dma_wait3A_257 = arith.constant 0 : i32
    %dma_wait3A_258 = tpu.memref_slice %arg0[%dma_wait3A_256, %dma_wait3A_257] : memref<33344x4096xf32, #tpu.memory_space<any>> -> memref<1024x4096xf32, #tpu.memory_space<any>>
    %dma_wait3A_259 = arith.constant 0 : i32
    %dma_wait3A_260 = arith.constant 0 : i32
    %dma_wait3A_261 = tpu.memref_slice %arg1[%dma_wait3A_259, %dma_wait3A_260] : memref<1024x4096xf32, #tpu.memory_space<vmem>> -> memref<1024x4096xf32, #tpu.memory_space<vmem>>
    tpu.wait_dma2 semaphore(%dma_wait3A_255 : memref<!tpu.dma_semaphore, #tpu.memory_space<semaphore_mem>>) src(%dma_wait3A_261 : memref<1024x4096xf32, #tpu.memory_space<vmem>>) dst(%dma_wait3A_258 : memref<1024x4096xf32, #tpu.memory_space<any>>)
    %dma_start3A_262 = arith.constant 2 : i32
    %dma_start3A_263 = tpu.memref_slice %arg2[%dma_start3A_262] : memref<8x!tpu.dma_semaphore, #tpu.memory_space<semaphore_mem>> -> memref<1x!tpu.dma_semaphore, #tpu.memory_space<semaphore_mem>>
    %dma_start3A_264 = tpu.memref_squeeze %dma_start3A_263 : memref<1x!tpu.dma_semaphore, #tpu.memory_space<semaphore_mem>> -> memref<!tpu.dma_semaphore, #tpu.memory_space<semaphore_mem>>
    %dma_start3A_265 = arith.constant 18432 : i32
    %dma_start3A_266 = arith.constant 0 : i32
    %dma_start3A_267 = tpu.memref_slice %arg0[%dma_start3A_265, %dma_start3A_266] : memref<33344x4096xf32, #tpu.memory_space<any>> -> memref<1024x4096xf32, #tpu.memory_space<any>>
    %dma_start3A_268 = arith.constant 0 : i32
    %dma_start3A_269 = arith.constant 0 : i32
    %dma_start3A_270 = tpu.memref_slice %arg1[%dma_start3A_268, %dma_start3A_269] : memref<1024x4096xf32, #tpu.memory_space<vmem>> -> memref<1024x4096xf32, #tpu.memory_space<vmem>>
    tpu.enqueue_dma source(%dma_start3A_270 : memref<1024x4096xf32, #tpu.memory_space<vmem>>) target(%dma_start3A_267 : memref<1024x4096xf32, #tpu.memory_space<any>>) target_semaphore(%dma_start3A_264 : memref<!tpu.dma_semaphore, #tpu.memory_space<semaphore_mem>>)
    %dma_wait3A_271 = arith.constant 3 : i32
    %dma_wait3A_272 = tpu.memref_slice %arg2[%dma_wait3A_271] : memref<8x!tpu.dma_semaphore, #tpu.memory_space<semaphore_mem>> -> memref<1x!tpu.dma_semaphore, #tpu.memory_space<semaphore_mem>>
    %dma_wait3A_273 = tpu.memref_squeeze %dma_wait3A_272 : memref<1x!tpu.dma_semaphore, #tpu.memory_space<semaphore_mem>> -> memref<!tpu.dma_semaphore, #tpu.memory_space<semaphore_mem>>
    %dma_wait3A_274 = arith.constant 11264 : i32
    %dma_wait3A_275 = arith.constant 0 : i32
    %dma_wait3A_276 = tpu.memref_slice %arg0[%dma_wait3A_274, %dma_wait3A_275] : memref<33344x4096xf32, #tpu.memory_space<any>> -> memref<1024x4096xf32, #tpu.memory_space<any>>
    %dma_wait3A_277 = arith.constant 0 : i32
    %dma_wait3A_278 = arith.constant 0 : i32
    %dma_wait3A_279 = tpu.memref_slice %arg1[%dma_wait3A_277, %dma_wait3A_278] : memref<1024x4096xf32, #tpu.memory_space<vmem>> -> memref<1024x4096xf32, #tpu.memory_space<vmem>>
    tpu.wait_dma2 semaphore(%dma_wait3A_273 : memref<!tpu.dma_semaphore, #tpu.memory_space<semaphore_mem>>) src(%dma_wait3A_279 : memref<1024x4096xf32, #tpu.memory_space<vmem>>) dst(%dma_wait3A_276 : memref<1024x4096xf32, #tpu.memory_space<any>>)
    %dma_start3A_280 = arith.constant 3 : i32
    %dma_start3A_281 = tpu.memref_slice %arg2[%dma_start3A_280] : memref<8x!tpu.dma_semaphore, #tpu.memory_space<semaphore_mem>> -> memref<1x!tpu.dma_semaphore, #tpu.memory_space<semaphore_mem>>
    %dma_start3A_282 = tpu.memref_squeeze %dma_start3A_281 : memref<1x!tpu.dma_semaphore, #tpu.memory_space<semaphore_mem>> -> memref<!tpu.dma_semaphore, #tpu.memory_space<semaphore_mem>>
    %dma_start3A_283 = arith.constant 19456 : i32
    %dma_start3A_284 = arith.constant 0 : i32
    %dma_start3A_285 = tpu.memref_slice %arg0[%dma_start3A_283, %dma_start3A_284] : memref<33344x4096xf32, #tpu.memory_space<any>> -> memref<1024x4096xf32, #tpu.memory_space<any>>
    %dma_start3A_286 = arith.constant 0 : i32
    %dma_start3A_287 = arith.constant 0 : i32
    %dma_start3A_288 = tpu.memref_slice %arg1[%dma_start3A_286, %dma_start3A_287] : memref<1024x4096xf32, #tpu.memory_space<vmem>> -> memref<1024x4096xf32, #tpu.memory_space<vmem>>
    tpu.enqueue_dma source(%dma_start3A_288 : memref<1024x4096xf32, #tpu.memory_space<vmem>>) target(%dma_start3A_285 : memref<1024x4096xf32, #tpu.memory_space<any>>) target_semaphore(%dma_start3A_282 : memref<!tpu.dma_semaphore, #tpu.memory_space<semaphore_mem>>)
    %dma_wait3A_289 = arith.constant 4 : i32
    %dma_wait3A_290 = tpu.memref_slice %arg2[%dma_wait3A_289] : memref<8x!tpu.dma_semaphore, #tpu.memory_space<semaphore_mem>> -> memref<1x!tpu.dma_semaphore, #tpu.memory_space<semaphore_mem>>
    %dma_wait3A_291 = tpu.memref_squeeze %dma_wait3A_290 : memref<1x!tpu.dma_semaphore, #tpu.memory_space<semaphore_mem>> -> memref<!tpu.dma_semaphore, #tpu.memory_space<semaphore_mem>>
    %dma_wait3A_292 = arith.constant 12288 : i32
    %dma_wait3A_293 = arith.constant 0 : i32
    %dma_wait3A_294 = tpu.memref_slice %arg0[%dma_wait3A_292, %dma_wait3A_293] : memref<33344x4096xf32, #tpu.memory_space<any>> -> memref<1024x4096xf32, #tpu.memory_space<any>>
    %dma_wait3A_295 = arith.constant 0 : i32
    %dma_wait3A_296 = arith.constant 0 : i32
    %dma_wait3A_297 = tpu.memref_slice %arg1[%dma_wait3A_295, %dma_wait3A_296] : memref<1024x4096xf32, #tpu.memory_space<vmem>> -> memref<1024x4096xf32, #tpu.memory_space<vmem>>
    tpu.wait_dma2 semaphore(%dma_wait3A_291 : memref<!tpu.dma_semaphore, #tpu.memory_space<semaphore_mem>>) src(%dma_wait3A_297 : memref<1024x4096xf32, #tpu.memory_space<vmem>>) dst(%dma_wait3A_294 : memref<1024x4096xf32, #tpu.memory_space<any>>)
    %dma_start3A_298 = arith.constant 4 : i32
    %dma_start3A_299 = tpu.memref_slice %arg2[%dma_start3A_298] : memref<8x!tpu.dma_semaphore, #tpu.memory_space<semaphore_mem>> -> memref<1x!tpu.dma_semaphore, #tpu.memory_space<semaphore_mem>>
    %dma_start3A_300 = tpu.memref_squeeze %dma_start3A_299 : memref<1x!tpu.dma_semaphore, #tpu.memory_space<semaphore_mem>> -> memref<!tpu.dma_semaphore, #tpu.memory_space<semaphore_mem>>
    %dma_start3A_301 = arith.constant 20480 : i32
    %dma_start3A_302 = arith.constant 0 : i32
    %dma_start3A_303 = tpu.memref_slice %arg0[%dma_start3A_301, %dma_start3A_302] : memref<33344x4096xf32, #tpu.memory_space<any>> -> memref<1024x4096xf32, #tpu.memory_space<any>>
    %dma_start3A_304 = arith.constant 0 : i32
    %dma_start3A_305 = arith.constant 0 : i32
    %dma_start3A_306 = tpu.memref_slice %arg1[%dma_start3A_304, %dma_start3A_305] : memref<1024x4096xf32, #tpu.memory_space<vmem>> -> memref<1024x4096xf32, #tpu.memory_space<vmem>>
    tpu.enqueue_dma source(%dma_start3A_306 : memref<1024x4096xf32, #tpu.memory_space<vmem>>) target(%dma_start3A_303 : memref<1024x4096xf32, #tpu.memory_space<any>>) target_semaphore(%dma_start3A_300 : memref<!tpu.dma_semaphore, #tpu.memory_space<semaphore_mem>>)
    %dma_wait3A_307 = arith.constant 5 : i32
    %dma_wait3A_308 = tpu.memref_slice %arg2[%dma_wait3A_307] : memref<8x!tpu.dma_semaphore, #tpu.memory_space<semaphore_mem>> -> memref<1x!tpu.dma_semaphore, #tpu.memory_space<semaphore_mem>>
    %dma_wait3A_309 = tpu.memref_squeeze %dma_wait3A_308 : memref<1x!tpu.dma_semaphore, #tpu.memory_space<semaphore_mem>> -> memref<!tpu.dma_semaphore, #tpu.memory_space<semaphore_mem>>
    %dma_wait3A_310 = arith.constant 13312 : i32
    %dma_wait3A_311 = arith.constant 0 : i32
    %dma_wait3A_312 = tpu.memref_slice %arg0[%dma_wait3A_310, %dma_wait3A_311] : memref<33344x4096xf32, #tpu.memory_space<any>> -> memref<1024x4096xf32, #tpu.memory_space<any>>
    %dma_wait3A_313 = arith.constant 0 : i32
    %dma_wait3A_314 = arith.constant 0 : i32
    %dma_wait3A_315 = tpu.memref_slice %arg1[%dma_wait3A_313, %dma_wait3A_314] : memref<1024x4096xf32, #tpu.memory_space<vmem>> -> memref<1024x4096xf32, #tpu.memory_space<vmem>>
    tpu.wait_dma2 semaphore(%dma_wait3A_309 : memref<!tpu.dma_semaphore, #tpu.memory_space<semaphore_mem>>) src(%dma_wait3A_315 : memref<1024x4096xf32, #tpu.memory_space<vmem>>) dst(%dma_wait3A_312 : memref<1024x4096xf32, #tpu.memory_space<any>>)
    %dma_start3A_316 = arith.constant 5 : i32
    %dma_start3A_317 = tpu.memref_slice %arg2[%dma_start3A_316] : memref<8x!tpu.dma_semaphore, #tpu.memory_space<semaphore_mem>> -> memref<1x!tpu.dma_semaphore, #tpu.memory_space<semaphore_mem>>
    %dma_start3A_318 = tpu.memref_squeeze %dma_start3A_317 : memref<1x!tpu.dma_semaphore, #tpu.memory_space<semaphore_mem>> -> memref<!tpu.dma_semaphore, #tpu.memory_space<semaphore_mem>>
    %dma_start3A_319 = arith.constant 21504 : i32
    %dma_start3A_320 = arith.constant 0 : i32
    %dma_start3A_321 = tpu.memref_slice %arg0[%dma_start3A_319, %dma_start3A_320] : memref<33344x4096xf32, #tpu.memory_space<any>> -> memref<1024x4096xf32, #tpu.memory_space<any>>
    %dma_start3A_322 = arith.constant 0 : i32
    %dma_start3A_323 = arith.constant 0 : i32
    %dma_start3A_324 = tpu.memref_slice %arg1[%dma_start3A_322, %dma_start3A_323] : memref<1024x4096xf32, #tpu.memory_space<vmem>> -> memref<1024x4096xf32, #tpu.memory_space<vmem>>
    tpu.enqueue_dma source(%dma_start3A_324 : memref<1024x4096xf32, #tpu.memory_space<vmem>>) target(%dma_start3A_321 : memref<1024x4096xf32, #tpu.memory_space<any>>) target_semaphore(%dma_start3A_318 : memref<!tpu.dma_semaphore, #tpu.memory_space<semaphore_mem>>)
    %dma_wait3A_325 = arith.constant 6 : i32
    %dma_wait3A_326 = tpu.memref_slice %arg2[%dma_wait3A_325] : memref<8x!tpu.dma_semaphore, #tpu.memory_space<semaphore_mem>> -> memref<1x!tpu.dma_semaphore, #tpu.memory_space<semaphore_mem>>
    %dma_wait3A_327 = tpu.memref_squeeze %dma_wait3A_326 : memref<1x!tpu.dma_semaphore, #tpu.memory_space<semaphore_mem>> -> memref<!tpu.dma_semaphore, #tpu.memory_space<semaphore_mem>>
    %dma_wait3A_328 = arith.constant 14336 : i32
    %dma_wait3A_329 = arith.constant 0 : i32
    %dma_wait3A_330 = tpu.memref_slice %arg0[%dma_wait3A_328, %dma_wait3A_329] : memref<33344x4096xf32, #tpu.memory_space<any>> -> memref<1024x4096xf32, #tpu.memory_space<any>>
    %dma_wait3A_331 = arith.constant 0 : i32
    %dma_wait3A_332 = arith.constant 0 : i32
    %dma_wait3A_333 = tpu.memref_slice %arg1[%dma_wait3A_331, %dma_wait3A_332] : memref<1024x4096xf32, #tpu.memory_space<vmem>> -> memref<1024x4096xf32, #tpu.memory_space<vmem>>
    tpu.wait_dma2 semaphore(%dma_wait3A_327 : memref<!tpu.dma_semaphore, #tpu.memory_space<semaphore_mem>>) src(%dma_wait3A_333 : memref<1024x4096xf32, #tpu.memory_space<vmem>>) dst(%dma_wait3A_330 : memref<1024x4096xf32, #tpu.memory_space<any>>)
    %dma_start3A_334 = arith.constant 6 : i32
    %dma_start3A_335 = tpu.memref_slice %arg2[%dma_start3A_334] : memref<8x!tpu.dma_semaphore, #tpu.memory_space<semaphore_mem>> -> memref<1x!tpu.dma_semaphore, #tpu.memory_space<semaphore_mem>>
    %dma_start3A_336 = tpu.memref_squeeze %dma_start3A_335 : memref<1x!tpu.dma_semaphore, #tpu.memory_space<semaphore_mem>> -> memref<!tpu.dma_semaphore, #tpu.memory_space<semaphore_mem>>
    %dma_start3A_337 = arith.constant 22528 : i32
    %dma_start3A_338 = arith.constant 0 : i32
    %dma_start3A_339 = tpu.memref_slice %arg0[%dma_start3A_337, %dma_start3A_338] : memref<33344x4096xf32, #tpu.memory_space<any>> -> memref<1024x4096xf32, #tpu.memory_space<any>>
    %dma_start3A_340 = arith.constant 0 : i32
    %dma_start3A_341 = arith.constant 0 : i32
    %dma_start3A_342 = tpu.memref_slice %arg1[%dma_start3A_340, %dma_start3A_341] : memref<1024x4096xf32, #tpu.memory_space<vmem>> -> memref<1024x4096xf32, #tpu.memory_space<vmem>>
    tpu.enqueue_dma source(%dma_start3A_342 : memref<1024x4096xf32, #tpu.memory_space<vmem>>) target(%dma_start3A_339 : memref<1024x4096xf32, #tpu.memory_space<any>>) target_semaphore(%dma_start3A_336 : memref<!tpu.dma_semaphore, #tpu.memory_space<semaphore_mem>>)
    %dma_wait3A_343 = arith.constant 7 : i32
    %dma_wait3A_344 = tpu.memref_slice %arg2[%dma_wait3A_343] : memref<8x!tpu.dma_semaphore, #tpu.memory_space<semaphore_mem>> -> memref<1x!tpu.dma_semaphore, #tpu.memory_space<semaphore_mem>>
    %dma_wait3A_345 = tpu.memref_squeeze %dma_wait3A_344 : memref<1x!tpu.dma_semaphore, #tpu.memory_space<semaphore_mem>> -> memref<!tpu.dma_semaphore, #tpu.memory_space<semaphore_mem>>
    %dma_wait3A_346 = arith.constant 15360 : i32
    %dma_wait3A_347 = arith.constant 0 : i32
    %dma_wait3A_348 = tpu.memref_slice %arg0[%dma_wait3A_346, %dma_wait3A_347] : memref<33344x4096xf32, #tpu.memory_space<any>> -> memref<1024x4096xf32, #tpu.memory_space<any>>
    %dma_wait3A_349 = arith.constant 0 : i32
    %dma_wait3A_350 = arith.constant 0 : i32
    %dma_wait3A_351 = tpu.memref_slice %arg1[%dma_wait3A_349, %dma_wait3A_350] : memref<1024x4096xf32, #tpu.memory_space<vmem>> -> memref<1024x4096xf32, #tpu.memory_space<vmem>>
    tpu.wait_dma2 semaphore(%dma_wait3A_345 : memref<!tpu.dma_semaphore, #tpu.memory_space<semaphore_mem>>) src(%dma_wait3A_351 : memref<1024x4096xf32, #tpu.memory_space<vmem>>) dst(%dma_wait3A_348 : memref<1024x4096xf32, #tpu.memory_space<any>>)
    %dma_start3A_352 = arith.constant 7 : i32
    %dma_start3A_353 = tpu.memref_slice %arg2[%dma_start3A_352] : memref<8x!tpu.dma_semaphore, #tpu.memory_space<semaphore_mem>> -> memref<1x!tpu.dma_semaphore, #tpu.memory_space<semaphore_mem>>
    %dma_start3A_354 = tpu.memref_squeeze %dma_start3A_353 : memref<1x!tpu.dma_semaphore, #tpu.memory_space<semaphore_mem>> -> memref<!tpu.dma_semaphore, #tpu.memory_space<semaphore_mem>>
    %dma_start3A_355 = arith.constant 23552 : i32
    %dma_start3A_356 = arith.constant 0 : i32
    %dma_start3A_357 = tpu.memref_slice %arg0[%dma_start3A_355, %dma_start3A_356] : memref<33344x4096xf32, #tpu.memory_space<any>> -> memref<1024x4096xf32, #tpu.memory_space<any>>
    %dma_start3A_358 = arith.constant 0 : i32
    %dma_start3A_359 = arith.constant 0 : i32
    %dma_start3A_360 = tpu.memref_slice %arg1[%dma_start3A_358, %dma_start3A_359] : memref<1024x4096xf32, #tpu.memory_space<vmem>> -> memref<1024x4096xf32, #tpu.memory_space<vmem>>
    tpu.enqueue_dma source(%dma_start3A_360 : memref<1024x4096xf32, #tpu.memory_space<vmem>>) target(%dma_start3A_357 : memref<1024x4096xf32, #tpu.memory_space<any>>) target_semaphore(%dma_start3A_354 : memref<!tpu.dma_semaphore, #tpu.memory_space<semaphore_mem>>)
    %dma_wait3A_361 = arith.constant 0 : i32
    %dma_wait3A_362 = tpu.memref_slice %arg2[%dma_wait3A_361] : memref<8x!tpu.dma_semaphore, #tpu.memory_space<semaphore_mem>> -> memref<1x!tpu.dma_semaphore, #tpu.memory_space<semaphore_mem>>
    %dma_wait3A_363 = tpu.memref_squeeze %dma_wait3A_362 : memref<1x!tpu.dma_semaphore, #tpu.memory_space<semaphore_mem>> -> memref<!tpu.dma_semaphore, #tpu.memory_space<semaphore_mem>>
    %dma_wait3A_364 = arith.constant 16384 : i32
    %dma_wait3A_365 = arith.constant 0 : i32
    %dma_wait3A_366 = tpu.memref_slice %arg0[%dma_wait3A_364, %dma_wait3A_365] : memref<33344x4096xf32, #tpu.memory_space<any>> -> memref<1024x4096xf32, #tpu.memory_space<any>>
    %dma_wait3A_367 = arith.constant 0 : i32
    %dma_wait3A_368 = arith.constant 0 : i32
    %dma_wait3A_369 = tpu.memref_slice %arg1[%dma_wait3A_367, %dma_wait3A_368] : memref<1024x4096xf32, #tpu.memory_space<vmem>> -> memref<1024x4096xf32, #tpu.memory_space<vmem>>
    tpu.wait_dma2 semaphore(%dma_wait3A_363 : memref<!tpu.dma_semaphore, #tpu.memory_space<semaphore_mem>>) src(%dma_wait3A_369 : memref<1024x4096xf32, #tpu.memory_space<vmem>>) dst(%dma_wait3A_366 : memref<1024x4096xf32, #tpu.memory_space<any>>)
    %dma_start3A_370 = arith.constant 0 : i32
    %dma_start3A_371 = tpu.memref_slice %arg2[%dma_start3A_370] : memref<8x!tpu.dma_semaphore, #tpu.memory_space<semaphore_mem>> -> memref<1x!tpu.dma_semaphore, #tpu.memory_space<semaphore_mem>>
    %dma_start3A_372 = tpu.memref_squeeze %dma_start3A_371 : memref<1x!tpu.dma_semaphore, #tpu.memory_space<semaphore_mem>> -> memref<!tpu.dma_semaphore, #tpu.memory_space<semaphore_mem>>
    %dma_start3A_373 = arith.constant 24576 : i32
    %dma_start3A_374 = arith.constant 0 : i32
    %dma_start3A_375 = tpu.memref_slice %arg0[%dma_start3A_373, %dma_start3A_374] : memref<33344x4096xf32, #tpu.memory_space<any>> -> memref<1024x4096xf32, #tpu.memory_space<any>>
    %dma_start3A_376 = arith.constant 0 : i32
    %dma_start3A_377 = arith.constant 0 : i32
    %dma_start3A_378 = tpu.memref_slice %arg1[%dma_start3A_376, %dma_start3A_377] : memref<1024x4096xf32, #tpu.memory_space<vmem>> -> memref<1024x4096xf32, #tpu.memory_space<vmem>>
    tpu.enqueue_dma source(%dma_start3A_378 : memref<1024x4096xf32, #tpu.memory_space<vmem>>) target(%dma_start3A_375 : memref<1024x4096xf32, #tpu.memory_space<any>>) target_semaphore(%dma_start3A_372 : memref<!tpu.dma_semaphore, #tpu.memory_space<semaphore_mem>>)
    %dma_wait3A_379 = arith.constant 1 : i32
    %dma_wait3A_380 = tpu.memref_slice %arg2[%dma_wait3A_379] : memref<8x!tpu.dma_semaphore, #tpu.memory_space<semaphore_mem>> -> memref<1x!tpu.dma_semaphore, #tpu.memory_space<semaphore_mem>>
    %dma_wait3A_381 = tpu.memref_squeeze %dma_wait3A_380 : memref<1x!tpu.dma_semaphore, #tpu.memory_space<semaphore_mem>> -> memref<!tpu.dma_semaphore, #tpu.memory_space<semaphore_mem>>
    %dma_wait3A_382 = arith.constant 17408 : i32
    %dma_wait3A_383 = arith.constant 0 : i32
    %dma_wait3A_384 = tpu.memref_slice %arg0[%dma_wait3A_382, %dma_wait3A_383] : memref<33344x4096xf32, #tpu.memory_space<any>> -> memref<1024x4096xf32, #tpu.memory_space<any>>
    %dma_wait3A_385 = arith.constant 0 : i32
    %dma_wait3A_386 = arith.constant 0 : i32
    %dma_wait3A_387 = tpu.memref_slice %arg1[%dma_wait3A_385, %dma_wait3A_386] : memref<1024x4096xf32, #tpu.memory_space<vmem>> -> memref<1024x4096xf32, #tpu.memory_space<vmem>>
    tpu.wait_dma2 semaphore(%dma_wait3A_381 : memref<!tpu.dma_semaphore, #tpu.memory_space<semaphore_mem>>) src(%dma_wait3A_387 : memref<1024x4096xf32, #tpu.memory_space<vmem>>) dst(%dma_wait3A_384 : memref<1024x4096xf32, #tpu.memory_space<any>>)
    %dma_start3A_388 = arith.constant 1 : i32
    %dma_start3A_389 = tpu.memref_slice %arg2[%dma_start3A_388] : memref<8x!tpu.dma_semaphore, #tpu.memory_space<semaphore_mem>> -> memref<1x!tpu.dma_semaphore, #tpu.memory_space<semaphore_mem>>
    %dma_start3A_390 = tpu.memref_squeeze %dma_start3A_389 : memref<1x!tpu.dma_semaphore, #tpu.memory_space<semaphore_mem>> -> memref<!tpu.dma_semaphore, #tpu.memory_space<semaphore_mem>>
    %dma_start3A_391 = arith.constant 25600 : i32
    %dma_start3A_392 = arith.constant 0 : i32
    %dma_start3A_393 = tpu.memref_slice %arg0[%dma_start3A_391, %dma_start3A_392] : memref<33344x4096xf32, #tpu.memory_space<any>> -> memref<1024x4096xf32, #tpu.memory_space<any>>
    %dma_start3A_394 = arith.constant 0 : i32
    %dma_start3A_395 = arith.constant 0 : i32
    %dma_start3A_396 = tpu.memref_slice %arg1[%dma_start3A_394, %dma_start3A_395] : memref<1024x4096xf32, #tpu.memory_space<vmem>> -> memref<1024x4096xf32, #tpu.memory_space<vmem>>
    tpu.enqueue_dma source(%dma_start3A_396 : memref<1024x4096xf32, #tpu.memory_space<vmem>>) target(%dma_start3A_393 : memref<1024x4096xf32, #tpu.memory_space<any>>) target_semaphore(%dma_start3A_390 : memref<!tpu.dma_semaphore, #tpu.memory_space<semaphore_mem>>)
    %dma_wait3A_397 = arith.constant 2 : i32
    %dma_wait3A_398 = tpu.memref_slice %arg2[%dma_wait3A_397] : memref<8x!tpu.dma_semaphore, #tpu.memory_space<semaphore_mem>> -> memref<1x!tpu.dma_semaphore, #tpu.memory_space<semaphore_mem>>
    %dma_wait3A_399 = tpu.memref_squeeze %dma_wait3A_398 : memref<1x!tpu.dma_semaphore, #tpu.memory_space<semaphore_mem>> -> memref<!tpu.dma_semaphore, #tpu.memory_space<semaphore_mem>>
    %dma_wait3A_400 = arith.constant 18432 : i32
    %dma_wait3A_401 = arith.constant 0 : i32
    %dma_wait3A_402 = tpu.memref_slice %arg0[%dma_wait3A_400, %dma_wait3A_401] : memref<33344x4096xf32, #tpu.memory_space<any>> -> memref<1024x4096xf32, #tpu.memory_space<any>>
    %dma_wait3A_403 = arith.constant 0 : i32
    %dma_wait3A_404 = arith.constant 0 : i32
    %dma_wait3A_405 = tpu.memref_slice %arg1[%dma_wait3A_403, %dma_wait3A_404] : memref<1024x4096xf32, #tpu.memory_space<vmem>> -> memref<1024x4096xf32, #tpu.memory_space<vmem>>
    tpu.wait_dma2 semaphore(%dma_wait3A_399 : memref<!tpu.dma_semaphore, #tpu.memory_space<semaphore_mem>>) src(%dma_wait3A_405 : memref<1024x4096xf32, #tpu.memory_space<vmem>>) dst(%dma_wait3A_402 : memref<1024x4096xf32, #tpu.memory_space<any>>)
    %dma_start3A_406 = arith.constant 2 : i32
    %dma_start3A_407 = tpu.memref_slice %arg2[%dma_start3A_406] : memref<8x!tpu.dma_semaphore, #tpu.memory_space<semaphore_mem>> -> memref<1x!tpu.dma_semaphore, #tpu.memory_space<semaphore_mem>>
    %dma_start3A_408 = tpu.memref_squeeze %dma_start3A_407 : memref<1x!tpu.dma_semaphore, #tpu.memory_space<semaphore_mem>> -> memref<!tpu.dma_semaphore, #tpu.memory_space<semaphore_mem>>
    %dma_start3A_409 = arith.constant 26624 : i32
    %dma_start3A_410 = arith.constant 0 : i32
    %dma_start3A_411 = tpu.memref_slice %arg0[%dma_start3A_409, %dma_start3A_410] : memref<33344x4096xf32, #tpu.memory_space<any>> -> memref<1024x4096xf32, #tpu.memory_space<any>>
    %dma_start3A_412 = arith.constant 0 : i32
    %dma_start3A_413 = arith.constant 0 : i32
    %dma_start3A_414 = tpu.memref_slice %arg1[%dma_start3A_412, %dma_start3A_413] : memref<1024x4096xf32, #tpu.memory_space<vmem>> -> memref<1024x4096xf32, #tpu.memory_space<vmem>>
    tpu.enqueue_dma source(%dma_start3A_414 : memref<1024x4096xf32, #tpu.memory_space<vmem>>) target(%dma_start3A_411 : memref<1024x4096xf32, #tpu.memory_space<any>>) target_semaphore(%dma_start3A_408 : memref<!tpu.dma_semaphore, #tpu.memory_space<semaphore_mem>>)
    %dma_wait3A_415 = arith.constant 3 : i32
    %dma_wait3A_416 = tpu.memref_slice %arg2[%dma_wait3A_415] : memref<8x!tpu.dma_semaphore, #tpu.memory_space<semaphore_mem>> -> memref<1x!tpu.dma_semaphore, #tpu.memory_space<semaphore_mem>>
    %dma_wait3A_417 = tpu.memref_squeeze %dma_wait3A_416 : memref<1x!tpu.dma_semaphore, #tpu.memory_space<semaphore_mem>> -> memref<!tpu.dma_semaphore, #tpu.memory_space<semaphore_mem>>
    %dma_wait3A_418 = arith.constant 19456 : i32
    %dma_wait3A_419 = arith.constant 0 : i32
    %dma_wait3A_420 = tpu.memref_slice %arg0[%dma_wait3A_418, %dma_wait3A_419] : memref<33344x4096xf32, #tpu.memory_space<any>> -> memref<1024x4096xf32, #tpu.memory_space<any>>
    %dma_wait3A_421 = arith.constant 0 : i32
    %dma_wait3A_422 = arith.constant 0 : i32
    %dma_wait3A_423 = tpu.memref_slice %arg1[%dma_wait3A_421, %dma_wait3A_422] : memref<1024x4096xf32, #tpu.memory_space<vmem>> -> memref<1024x4096xf32, #tpu.memory_space<vmem>>
    tpu.wait_dma2 semaphore(%dma_wait3A_417 : memref<!tpu.dma_semaphore, #tpu.memory_space<semaphore_mem>>) src(%dma_wait3A_423 : memref<1024x4096xf32, #tpu.memory_space<vmem>>) dst(%dma_wait3A_420 : memref<1024x4096xf32, #tpu.memory_space<any>>)
    %dma_start3A_424 = arith.constant 3 : i32
    %dma_start3A_425 = tpu.memref_slice %arg2[%dma_start3A_424] : memref<8x!tpu.dma_semaphore, #tpu.memory_space<semaphore_mem>> -> memref<1x!tpu.dma_semaphore, #tpu.memory_space<semaphore_mem>>
    %dma_start3A_426 = tpu.memref_squeeze %dma_start3A_425 : memref<1x!tpu.dma_semaphore, #tpu.memory_space<semaphore_mem>> -> memref<!tpu.dma_semaphore, #tpu.memory_space<semaphore_mem>>
    %dma_start3A_427 = arith.constant 27648 : i32
    %dma_start3A_428 = arith.constant 0 : i32
    %dma_start3A_429 = tpu.memref_slice %arg0[%dma_start3A_427, %dma_start3A_428] : memref<33344x4096xf32, #tpu.memory_space<any>> -> memref<1024x4096xf32, #tpu.memory_space<any>>
    %dma_start3A_430 = arith.constant 0 : i32
    %dma_start3A_431 = arith.constant 0 : i32
    %dma_start3A_432 = tpu.memref_slice %arg1[%dma_start3A_430, %dma_start3A_431] : memref<1024x4096xf32, #tpu.memory_space<vmem>> -> memref<1024x4096xf32, #tpu.memory_space<vmem>>
    tpu.enqueue_dma source(%dma_start3A_432 : memref<1024x4096xf32, #tpu.memory_space<vmem>>) target(%dma_start3A_429 : memref<1024x4096xf32, #tpu.memory_space<any>>) target_semaphore(%dma_start3A_426 : memref<!tpu.dma_semaphore, #tpu.memory_space<semaphore_mem>>)
    %dma_wait3A_433 = arith.constant 4 : i32
    %dma_wait3A_434 = tpu.memref_slice %arg2[%dma_wait3A_433] : memref<8x!tpu.dma_semaphore, #tpu.memory_space<semaphore_mem>> -> memref<1x!tpu.dma_semaphore, #tpu.memory_space<semaphore_mem>>
    %dma_wait3A_435 = tpu.memref_squeeze %dma_wait3A_434 : memref<1x!tpu.dma_semaphore, #tpu.memory_space<semaphore_mem>> -> memref<!tpu.dma_semaphore, #tpu.memory_space<semaphore_mem>>
    %dma_wait3A_436 = arith.constant 20480 : i32
    %dma_wait3A_437 = arith.constant 0 : i32
    %dma_wait3A_438 = tpu.memref_slice %arg0[%dma_wait3A_436, %dma_wait3A_437] : memref<33344x4096xf32, #tpu.memory_space<any>> -> memref<1024x4096xf32, #tpu.memory_space<any>>
    %dma_wait3A_439 = arith.constant 0 : i32
    %dma_wait3A_440 = arith.constant 0 : i32
    %dma_wait3A_441 = tpu.memref_slice %arg1[%dma_wait3A_439, %dma_wait3A_440] : memref<1024x4096xf32, #tpu.memory_space<vmem>> -> memref<1024x4096xf32, #tpu.memory_space<vmem>>
    tpu.wait_dma2 semaphore(%dma_wait3A_435 : memref<!tpu.dma_semaphore, #tpu.memory_space<semaphore_mem>>) src(%dma_wait3A_441 : memref<1024x4096xf32, #tpu.memory_space<vmem>>) dst(%dma_wait3A_438 : memref<1024x4096xf32, #tpu.memory_space<any>>)
    %dma_start3A_442 = arith.constant 4 : i32
    %dma_start3A_443 = tpu.memref_slice %arg2[%dma_start3A_442] : memref<8x!tpu.dma_semaphore, #tpu.memory_space<semaphore_mem>> -> memref<1x!tpu.dma_semaphore, #tpu.memory_space<semaphore_mem>>
    %dma_start3A_444 = tpu.memref_squeeze %dma_start3A_443 : memref<1x!tpu.dma_semaphore, #tpu.memory_space<semaphore_mem>> -> memref<!tpu.dma_semaphore, #tpu.memory_space<semaphore_mem>>
    %dma_start3A_445 = arith.constant 28672 : i32
    %dma_start3A_446 = arith.constant 0 : i32
    %dma_start3A_447 = tpu.memref_slice %arg0[%dma_start3A_445, %dma_start3A_446] : memref<33344x4096xf32, #tpu.memory_space<any>> -> memref<1024x4096xf32, #tpu.memory_space<any>>
    %dma_start3A_448 = arith.constant 0 : i32
    %dma_start3A_449 = arith.constant 0 : i32
    %dma_start3A_450 = tpu.memref_slice %arg1[%dma_start3A_448, %dma_start3A_449] : memref<1024x4096xf32, #tpu.memory_space<vmem>> -> memref<1024x4096xf32, #tpu.memory_space<vmem>>
    tpu.enqueue_dma source(%dma_start3A_450 : memref<1024x4096xf32, #tpu.memory_space<vmem>>) target(%dma_start3A_447 : memref<1024x4096xf32, #tpu.memory_space<any>>) target_semaphore(%dma_start3A_444 : memref<!tpu.dma_semaphore, #tpu.memory_space<semaphore_mem>>)
    %dma_wait3A_451 = arith.constant 5 : i32
    %dma_wait3A_452 = tpu.memref_slice %arg2[%dma_wait3A_451] : memref<8x!tpu.dma_semaphore, #tpu.memory_space<semaphore_mem>> -> memref<1x!tpu.dma_semaphore, #tpu.memory_space<semaphore_mem>>
    %dma_wait3A_453 = tpu.memref_squeeze %dma_wait3A_452 : memref<1x!tpu.dma_semaphore, #tpu.memory_space<semaphore_mem>> -> memref<!tpu.dma_semaphore, #tpu.memory_space<semaphore_mem>>
    %dma_wait3A_454 = arith.constant 21504 : i32
    %dma_wait3A_455 = arith.constant 0 : i32
    %dma_wait3A_456 = tpu.memref_slice %arg0[%dma_wait3A_454, %dma_wait3A_455] : memref<33344x4096xf32, #tpu.memory_space<any>> -> memref<1024x4096xf32, #tpu.memory_space<any>>
    %dma_wait3A_457 = arith.constant 0 : i32
    %dma_wait3A_458 = arith.constant 0 : i32
    %dma_wait3A_459 = tpu.memref_slice %arg1[%dma_wait3A_457, %dma_wait3A_458] : memref<1024x4096xf32, #tpu.memory_space<vmem>> -> memref<1024x4096xf32, #tpu.memory_space<vmem>>
    tpu.wait_dma2 semaphore(%dma_wait3A_453 : memref<!tpu.dma_semaphore, #tpu.memory_space<semaphore_mem>>) src(%dma_wait3A_459 : memref<1024x4096xf32, #tpu.memory_space<vmem>>) dst(%dma_wait3A_456 : memref<1024x4096xf32, #tpu.memory_space<any>>)
    %dma_start3A_460 = arith.constant 5 : i32
    %dma_start3A_461 = tpu.memref_slice %arg2[%dma_start3A_460] : memref<8x!tpu.dma_semaphore, #tpu.memory_space<semaphore_mem>> -> memref<1x!tpu.dma_semaphore, #tpu.memory_space<semaphore_mem>>
    %dma_start3A_462 = tpu.memref_squeeze %dma_start3A_461 : memref<1x!tpu.dma_semaphore, #tpu.memory_space<semaphore_mem>> -> memref<!tpu.dma_semaphore, #tpu.memory_space<semaphore_mem>>
    %dma_start3A_463 = arith.constant 29696 : i32
    %dma_start3A_464 = arith.constant 0 : i32
    %dma_start3A_465 = tpu.memref_slice %arg0[%dma_start3A_463, %dma_start3A_464] : memref<33344x4096xf32, #tpu.memory_space<any>> -> memref<1024x4096xf32, #tpu.memory_space<any>>
    %dma_start3A_466 = arith.constant 0 : i32
    %dma_start3A_467 = arith.constant 0 : i32
    %dma_start3A_468 = tpu.memref_slice %arg1[%dma_start3A_466, %dma_start3A_467] : memref<1024x4096xf32, #tpu.memory_space<vmem>> -> memref<1024x4096xf32, #tpu.memory_space<vmem>>
    tpu.enqueue_dma source(%dma_start3A_468 : memref<1024x4096xf32, #tpu.memory_space<vmem>>) target(%dma_start3A_465 : memref<1024x4096xf32, #tpu.memory_space<any>>) target_semaphore(%dma_start3A_462 : memref<!tpu.dma_semaphore, #tpu.memory_space<semaphore_mem>>)
    %dma_wait3A_469 = arith.constant 6 : i32
    %dma_wait3A_470 = tpu.memref_slice %arg2[%dma_wait3A_469] : memref<8x!tpu.dma_semaphore, #tpu.memory_space<semaphore_mem>> -> memref<1x!tpu.dma_semaphore, #tpu.memory_space<semaphore_mem>>
    %dma_wait3A_471 = tpu.memref_squeeze %dma_wait3A_470 : memref<1x!tpu.dma_semaphore, #tpu.memory_space<semaphore_mem>> -> memref<!tpu.dma_semaphore, #tpu.memory_space<semaphore_mem>>
    %dma_wait3A_472 = arith.constant 22528 : i32
    %dma_wait3A_473 = arith.constant 0 : i32
    %dma_wait3A_474 = tpu.memref_slice %arg0[%dma_wait3A_472, %dma_wait3A_473] : memref<33344x4096xf32, #tpu.memory_space<any>> -> memref<1024x4096xf32, #tpu.memory_space<any>>
    %dma_wait3A_475 = arith.constant 0 : i32
    %dma_wait3A_476 = arith.constant 0 : i32
    %dma_wait3A_477 = tpu.memref_slice %arg1[%dma_wait3A_475, %dma_wait3A_476] : memref<1024x4096xf32, #tpu.memory_space<vmem>> -> memref<1024x4096xf32, #tpu.memory_space<vmem>>
    tpu.wait_dma2 semaphore(%dma_wait3A_471 : memref<!tpu.dma_semaphore, #tpu.memory_space<semaphore_mem>>) src(%dma_wait3A_477 : memref<1024x4096xf32, #tpu.memory_space<vmem>>) dst(%dma_wait3A_474 : memref<1024x4096xf32, #tpu.memory_space<any>>)
    %dma_start3A_478 = arith.constant 6 : i32
    %dma_start3A_479 = tpu.memref_slice %arg2[%dma_start3A_478] : memref<8x!tpu.dma_semaphore, #tpu.memory_space<semaphore_mem>> -> memref<1x!tpu.dma_semaphore, #tpu.memory_space<semaphore_mem>>
    %dma_start3A_480 = tpu.memref_squeeze %dma_start3A_479 : memref<1x!tpu.dma_semaphore, #tpu.memory_space<semaphore_mem>> -> memref<!tpu.dma_semaphore, #tpu.memory_space<semaphore_mem>>
    %dma_start3A_481 = arith.constant 30720 : i32
    %dma_start3A_482 = arith.constant 0 : i32
    %dma_start3A_483 = tpu.memref_slice %arg0[%dma_start3A_481, %dma_start3A_482] : memref<33344x4096xf32, #tpu.memory_space<any>> -> memref<1024x4096xf32, #tpu.memory_space<any>>
    %dma_start3A_484 = arith.constant 0 : i32
    %dma_start3A_485 = arith.constant 0 : i32
    %dma_start3A_486 = tpu.memref_slice %arg1[%dma_start3A_484, %dma_start3A_485] : memref<1024x4096xf32, #tpu.memory_space<vmem>> -> memref<1024x4096xf32, #tpu.memory_space<vmem>>
    tpu.enqueue_dma source(%dma_start3A_486 : memref<1024x4096xf32, #tpu.memory_space<vmem>>) target(%dma_start3A_483 : memref<1024x4096xf32, #tpu.memory_space<any>>) target_semaphore(%dma_start3A_480 : memref<!tpu.dma_semaphore, #tpu.memory_space<semaphore_mem>>)
    %dma_wait3A_487 = arith.constant 7 : i32
    %dma_wait3A_488 = tpu.memref_slice %arg2[%dma_wait3A_487] : memref<8x!tpu.dma_semaphore, #tpu.memory_space<semaphore_mem>> -> memref<1x!tpu.dma_semaphore, #tpu.memory_space<semaphore_mem>>
    %dma_wait3A_489 = tpu.memref_squeeze %dma_wait3A_488 : memref<1x!tpu.dma_semaphore, #tpu.memory_space<semaphore_mem>> -> memref<!tpu.dma_semaphore, #tpu.memory_space<semaphore_mem>>
    %dma_wait3A_490 = arith.constant 23552 : i32
    %dma_wait3A_491 = arith.constant 0 : i32
    %dma_wait3A_492 = tpu.memref_slice %arg0[%dma_wait3A_490, %dma_wait3A_491] : memref<33344x4096xf32, #tpu.memory_space<any>> -> memref<1024x4096xf32, #tpu.memory_space<any>>
    %dma_wait3A_493 = arith.constant 0 : i32
    %dma_wait3A_494 = arith.constant 0 : i32
    %dma_wait3A_495 = tpu.memref_slice %arg1[%dma_wait3A_493, %dma_wait3A_494] : memref<1024x4096xf32, #tpu.memory_space<vmem>> -> memref<1024x4096xf32, #tpu.memory_space<vmem>>
    tpu.wait_dma2 semaphore(%dma_wait3A_489 : memref<!tpu.dma_semaphore, #tpu.memory_space<semaphore_mem>>) src(%dma_wait3A_495 : memref<1024x4096xf32, #tpu.memory_space<vmem>>) dst(%dma_wait3A_492 : memref<1024x4096xf32, #tpu.memory_space<any>>)
    %dma_start3A_496 = arith.constant 7 : i32
    %dma_start3A_497 = tpu.memref_slice %arg2[%dma_start3A_496] : memref<8x!tpu.dma_semaphore, #tpu.memory_space<semaphore_mem>> -> memref<1x!tpu.dma_semaphore, #tpu.memory_space<semaphore_mem>>
    %dma_start3A_498 = tpu.memref_squeeze %dma_start3A_497 : memref<1x!tpu.dma_semaphore, #tpu.memory_space<semaphore_mem>> -> memref<!tpu.dma_semaphore, #tpu.memory_space<semaphore_mem>>
    %dma_start3A_499 = arith.constant 31744 : i32
    %dma_start3A_500 = arith.constant 0 : i32
    %dma_start3A_501 = tpu.memref_slice %arg0[%dma_start3A_499, %dma_start3A_500] : memref<33344x4096xf32, #tpu.memory_space<any>> -> memref<1024x4096xf32, #tpu.memory_space<any>>
    %dma_start3A_502 = arith.constant 0 : i32
    %dma_start3A_503 = arith.constant 0 : i32
    %dma_start3A_504 = tpu.memref_slice %arg1[%dma_start3A_502, %dma_start3A_503] : memref<1024x4096xf32, #tpu.memory_space<vmem>> -> memref<1024x4096xf32, #tpu.memory_space<vmem>>
    tpu.enqueue_dma source(%dma_start3A_504 : memref<1024x4096xf32, #tpu.memory_space<vmem>>) target(%dma_start3A_501 : memref<1024x4096xf32, #tpu.memory_space<any>>) target_semaphore(%dma_start3A_498 : memref<!tpu.dma_semaphore, #tpu.memory_space<semaphore_mem>>)
    %dma_wait3A_505 = arith.constant 0 : i32
    %dma_wait3A_506 = tpu.memref_slice %arg2[%dma_wait3A_505] : memref<8x!tpu.dma_semaphore, #tpu.memory_space<semaphore_mem>> -> memref<1x!tpu.dma_semaphore, #tpu.memory_space<semaphore_mem>>
    %dma_wait3A_507 = tpu.memref_squeeze %dma_wait3A_506 : memref<1x!tpu.dma_semaphore, #tpu.memory_space<semaphore_mem>> -> memref<!tpu.dma_semaphore, #tpu.memory_space<semaphore_mem>>
    %dma_wait3A_508 = arith.constant 24576 : i32
    %dma_wait3A_509 = arith.constant 0 : i32
    %dma_wait3A_510 = tpu.memref_slice %arg0[%dma_wait3A_508, %dma_wait3A_509] : memref<33344x4096xf32, #tpu.memory_space<any>> -> memref<1024x4096xf32, #tpu.memory_space<any>>
    %dma_wait3A_511 = arith.constant 0 : i32
    %dma_wait3A_512 = arith.constant 0 : i32
    %dma_wait3A_513 = tpu.memref_slice %arg1[%dma_wait3A_511, %dma_wait3A_512] : memref<1024x4096xf32, #tpu.memory_space<vmem>> -> memref<1024x4096xf32, #tpu.memory_space<vmem>>
    tpu.wait_dma2 semaphore(%dma_wait3A_507 : memref<!tpu.dma_semaphore, #tpu.memory_space<semaphore_mem>>) src(%dma_wait3A_513 : memref<1024x4096xf32, #tpu.memory_space<vmem>>) dst(%dma_wait3A_510 : memref<1024x4096xf32, #tpu.memory_space<any>>)
    %dma_start3A_514 = arith.constant 0 : i32
    %dma_start3A_515 = tpu.memref_slice %arg2[%dma_start3A_514] : memref<8x!tpu.dma_semaphore, #tpu.memory_space<semaphore_mem>> -> memref<1x!tpu.dma_semaphore, #tpu.memory_space<semaphore_mem>>
    %dma_start3A_516 = tpu.memref_squeeze %dma_start3A_515 : memref<1x!tpu.dma_semaphore, #tpu.memory_space<semaphore_mem>> -> memref<!tpu.dma_semaphore, #tpu.memory_space<semaphore_mem>>
    %dma_start3A_517 = arith.constant 32768 : i32
    %dma_start3A_518 = arith.constant 0 : i32
    %dma_start3A_519 = tpu.memref_slice %arg0[%dma_start3A_517, %dma_start3A_518] : memref<33344x4096xf32, #tpu.memory_space<any>> -> memref<576x4096xf32, #tpu.memory_space<any>>
    %dma_start3A_520 = arith.constant 0 : i32
    %dma_start3A_521 = arith.constant 0 : i32
    %dma_start3A_522 = tpu.memref_slice %arg1[%dma_start3A_520, %dma_start3A_521] : memref<1024x4096xf32, #tpu.memory_space<vmem>> -> memref<576x4096xf32, #tpu.memory_space<vmem>>
    tpu.enqueue_dma source(%dma_start3A_522 : memref<576x4096xf32, #tpu.memory_space<vmem>>) target(%dma_start3A_519 : memref<576x4096xf32, #tpu.memory_space<any>>) target_semaphore(%dma_start3A_516 : memref<!tpu.dma_semaphore, #tpu.memory_space<semaphore_mem>>)
    %dma_wait3A_523 = arith.constant 1 : i32
    %dma_wait3A_524 = tpu.memref_slice %arg2[%dma_wait3A_523] : memref<8x!tpu.dma_semaphore, #tpu.memory_space<semaphore_mem>> -> memref<1x!tpu.dma_semaphore, #tpu.memory_space<semaphore_mem>>
    %dma_wait3A_525 = tpu.memref_squeeze %dma_wait3A_524 : memref<1x!tpu.dma_semaphore, #tpu.memory_space<semaphore_mem>> -> memref<!tpu.dma_semaphore, #tpu.memory_space<semaphore_mem>>
    %dma_wait3A_526 = arith.constant 25600 : i32
    %dma_wait3A_527 = arith.constant 0 : i32
    %dma_wait3A_528 = tpu.memref_slice %arg0[%dma_wait3A_526, %dma_wait3A_527] : memref<33344x4096xf32, #tpu.memory_space<any>> -> memref<1024x4096xf32, #tpu.memory_space<any>>
    %dma_wait3A_529 = arith.constant 0 : i32
    %dma_wait3A_530 = arith.constant 0 : i32
    %dma_wait3A_531 = tpu.memref_slice %arg1[%dma_wait3A_529, %dma_wait3A_530] : memref<1024x4096xf32, #tpu.memory_space<vmem>> -> memref<1024x4096xf32, #tpu.memory_space<vmem>>
    tpu.wait_dma2 semaphore(%dma_wait3A_525 : memref<!tpu.dma_semaphore, #tpu.memory_space<semaphore_mem>>) src(%dma_wait3A_531 : memref<1024x4096xf32, #tpu.memory_space<vmem>>) dst(%dma_wait3A_528 : memref<1024x4096xf32, #tpu.memory_space<any>>)
    %dma_wait3A_532 = arith.constant 2 : i32
    %dma_wait3A_533 = tpu.memref_slice %arg2[%dma_wait3A_532] : memref<8x!tpu.dma_semaphore, #tpu.memory_space<semaphore_mem>> -> memref<1x!tpu.dma_semaphore, #tpu.memory_space<semaphore_mem>>
    %dma_wait3A_534 = tpu.memref_squeeze %dma_wait3A_533 : memref<1x!tpu.dma_semaphore, #tpu.memory_space<semaphore_mem>> -> memref<!tpu.dma_semaphore, #tpu.memory_space<semaphore_mem>>
    %dma_wait3A_535 = arith.constant 26624 : i32
    %dma_wait3A_536 = arith.constant 0 : i32
    %dma_wait3A_537 = tpu.memref_slice %arg0[%dma_wait3A_535, %dma_wait3A_536] : memref<33344x4096xf32, #tpu.memory_space<any>> -> memref<1024x4096xf32, #tpu.memory_space<any>>
    %dma_wait3A_538 = arith.constant 0 : i32
    %dma_wait3A_539 = arith.constant 0 : i32
    %dma_wait3A_540 = tpu.memref_slice %arg1[%dma_wait3A_538, %dma_wait3A_539] : memref<1024x4096xf32, #tpu.memory_space<vmem>> -> memref<1024x4096xf32, #tpu.memory_space<vmem>>
    tpu.wait_dma2 semaphore(%dma_wait3A_534 : memref<!tpu.dma_semaphore, #tpu.memory_space<semaphore_mem>>) src(%dma_wait3A_540 : memref<1024x4096xf32, #tpu.memory_space<vmem>>) dst(%dma_wait3A_537 : memref<1024x4096xf32, #tpu.memory_space<any>>)
    %dma_wait3A_541 = arith.constant 3 : i32
    %dma_wait3A_542 = tpu.memref_slice %arg2[%dma_wait3A_541] : memref<8x!tpu.dma_semaphore, #tpu.memory_space<semaphore_mem>> -> memref<1x!tpu.dma_semaphore, #tpu.memory_space<semaphore_mem>>
    %dma_wait3A_543 = tpu.memref_squeeze %dma_wait3A_542 : memref<1x!tpu.dma_semaphore, #tpu.memory_space<semaphore_mem>> -> memref<!tpu.dma_semaphore, #tpu.memory_space<semaphore_mem>>
    %dma_wait3A_544 = arith.constant 27648 : i32
    %dma_wait3A_545 = arith.constant 0 : i32
    %dma_wait3A_546 = tpu.memref_slice %arg0[%dma_wait3A_544, %dma_wait3A_545] : memref<33344x4096xf32, #tpu.memory_space<any>> -> memref<1024x4096xf32, #tpu.memory_space<any>>
    %dma_wait3A_547 = arith.constant 0 : i32
    %dma_wait3A_548 = arith.constant 0 : i32
    %dma_wait3A_549 = tpu.memref_slice %arg1[%dma_wait3A_547, %dma_wait3A_548] : memref<1024x4096xf32, #tpu.memory_space<vmem>> -> memref<1024x4096xf32, #tpu.memory_space<vmem>>
    tpu.wait_dma2 semaphore(%dma_wait3A_543 : memref<!tpu.dma_semaphore, #tpu.memory_space<semaphore_mem>>) src(%dma_wait3A_549 : memref<1024x4096xf32, #tpu.memory_space<vmem>>) dst(%dma_wait3A_546 : memref<1024x4096xf32, #tpu.memory_space<any>>)
    %dma_wait3A_550 = arith.constant 4 : i32
    %dma_wait3A_551 = tpu.memref_slice %arg2[%dma_wait3A_550] : memref<8x!tpu.dma_semaphore, #tpu.memory_space<semaphore_mem>> -> memref<1x!tpu.dma_semaphore, #tpu.memory_space<semaphore_mem>>
    %dma_wait3A_552 = tpu.memref_squeeze %dma_wait3A_551 : memref<1x!tpu.dma_semaphore, #tpu.memory_space<semaphore_mem>> -> memref<!tpu.dma_semaphore, #tpu.memory_space<semaphore_mem>>
    %dma_wait3A_553 = arith.constant 28672 : i32
    %dma_wait3A_554 = arith.constant 0 : i32
    %dma_wait3A_555 = tpu.memref_slice %arg0[%dma_wait3A_553, %dma_wait3A_554] : memref<33344x4096xf32, #tpu.memory_space<any>> -> memref<1024x4096xf32, #tpu.memory_space<any>>
    %dma_wait3A_556 = arith.constant 0 : i32
    %dma_wait3A_557 = arith.constant 0 : i32
    %dma_wait3A_558 = tpu.memref_slice %arg1[%dma_wait3A_556, %dma_wait3A_557] : memref<1024x4096xf32, #tpu.memory_space<vmem>> -> memref<1024x4096xf32, #tpu.memory_space<vmem>>
    tpu.wait_dma2 semaphore(%dma_wait3A_552 : memref<!tpu.dma_semaphore, #tpu.memory_space<semaphore_mem>>) src(%dma_wait3A_558 : memref<1024x4096xf32, #tpu.memory_space<vmem>>) dst(%dma_wait3A_555 : memref<1024x4096xf32, #tpu.memory_space<any>>)
    %dma_wait3A_559 = arith.constant 5 : i32
    %dma_wait3A_560 = tpu.memref_slice %arg2[%dma_wait3A_559] : memref<8x!tpu.dma_semaphore, #tpu.memory_space<semaphore_mem>> -> memref<1x!tpu.dma_semaphore, #tpu.memory_space<semaphore_mem>>
    %dma_wait3A_561 = tpu.memref_squeeze %dma_wait3A_560 : memref<1x!tpu.dma_semaphore, #tpu.memory_space<semaphore_mem>> -> memref<!tpu.dma_semaphore, #tpu.memory_space<semaphore_mem>>
    %dma_wait3A_562 = arith.constant 29696 : i32
    %dma_wait3A_563 = arith.constant 0 : i32
    %dma_wait3A_564 = tpu.memref_slice %arg0[%dma_wait3A_562, %dma_wait3A_563] : memref<33344x4096xf32, #tpu.memory_space<any>> -> memref<1024x4096xf32, #tpu.memory_space<any>>
    %dma_wait3A_565 = arith.constant 0 : i32
    %dma_wait3A_566 = arith.constant 0 : i32
    %dma_wait3A_567 = tpu.memref_slice %arg1[%dma_wait3A_565, %dma_wait3A_566] : memref<1024x4096xf32, #tpu.memory_space<vmem>> -> memref<1024x4096xf32, #tpu.memory_space<vmem>>
    tpu.wait_dma2 semaphore(%dma_wait3A_561 : memref<!tpu.dma_semaphore, #tpu.memory_space<semaphore_mem>>) src(%dma_wait3A_567 : memref<1024x4096xf32, #tpu.memory_space<vmem>>) dst(%dma_wait3A_564 : memref<1024x4096xf32, #tpu.memory_space<any>>)
    %dma_wait3A_568 = arith.constant 6 : i32
    %dma_wait3A_569 = tpu.memref_slice %arg2[%dma_wait3A_568] : memref<8x!tpu.dma_semaphore, #tpu.memory_space<semaphore_mem>> -> memref<1x!tpu.dma_semaphore, #tpu.memory_space<semaphore_mem>>
    %dma_wait3A_570 = tpu.memref_squeeze %dma_wait3A_569 : memref<1x!tpu.dma_semaphore, #tpu.memory_space<semaphore_mem>> -> memref<!tpu.dma_semaphore, #tpu.memory_space<semaphore_mem>>
    %dma_wait3A_571 = arith.constant 30720 : i32
    %dma_wait3A_572 = arith.constant 0 : i32
    %dma_wait3A_573 = tpu.memref_slice %arg0[%dma_wait3A_571, %dma_wait3A_572] : memref<33344x4096xf32, #tpu.memory_space<any>> -> memref<1024x4096xf32, #tpu.memory_space<any>>
    %dma_wait3A_574 = arith.constant 0 : i32
    %dma_wait3A_575 = arith.constant 0 : i32
    %dma_wait3A_576 = tpu.memref_slice %arg1[%dma_wait3A_574, %dma_wait3A_575] : memref<1024x4096xf32, #tpu.memory_space<vmem>> -> memref<1024x4096xf32, #tpu.memory_space<vmem>>
    tpu.wait_dma2 semaphore(%dma_wait3A_570 : memref<!tpu.dma_semaphore, #tpu.memory_space<semaphore_mem>>) src(%dma_wait3A_576 : memref<1024x4096xf32, #tpu.memory_space<vmem>>) dst(%dma_wait3A_573 : memref<1024x4096xf32, #tpu.memory_space<any>>)
    %dma_wait3A_577 = arith.constant 7 : i32
    %dma_wait3A_578 = tpu.memref_slice %arg2[%dma_wait3A_577] : memref<8x!tpu.dma_semaphore, #tpu.memory_space<semaphore_mem>> -> memref<1x!tpu.dma_semaphore, #tpu.memory_space<semaphore_mem>>
    %dma_wait3A_579 = tpu.memref_squeeze %dma_wait3A_578 : memref<1x!tpu.dma_semaphore, #tpu.memory_space<semaphore_mem>> -> memref<!tpu.dma_semaphore, #tpu.memory_space<semaphore_mem>>
    %dma_wait3A_580 = arith.constant 31744 : i32
    %dma_wait3A_581 = arith.constant 0 : i32
    %dma_wait3A_582 = tpu.memref_slice %arg0[%dma_wait3A_580, %dma_wait3A_581] : memref<33344x4096xf32, #tpu.memory_space<any>> -> memref<1024x4096xf32, #tpu.memory_space<any>>
    %dma_wait3A_583 = arith.constant 0 : i32
    %dma_wait3A_584 = arith.constant 0 : i32
    %dma_wait3A_585 = tpu.memref_slice %arg1[%dma_wait3A_583, %dma_wait3A_584] : memref<1024x4096xf32, #tpu.memory_space<vmem>> -> memref<1024x4096xf32, #tpu.memory_space<vmem>>
    tpu.wait_dma2 semaphore(%dma_wait3A_579 : memref<!tpu.dma_semaphore, #tpu.memory_space<semaphore_mem>>) src(%dma_wait3A_585 : memref<1024x4096xf32, #tpu.memory_space<vmem>>) dst(%dma_wait3A_582 : memref<1024x4096xf32, #tpu.memory_space<any>>)
    %dma_wait3A_586 = arith.constant 0 : i32
    %dma_wait3A_587 = tpu.memref_slice %arg2[%dma_wait3A_586] : memref<8x!tpu.dma_semaphore, #tpu.memory_space<semaphore_mem>> -> memref<1x!tpu.dma_semaphore, #tpu.memory_space<semaphore_mem>>
    %dma_wait3A_588 = tpu.memref_squeeze %dma_wait3A_587 : memref<1x!tpu.dma_semaphore, #tpu.memory_space<semaphore_mem>> -> memref<!tpu.dma_semaphore, #tpu.memory_space<semaphore_mem>>
    %dma_wait3A_589 = arith.constant 32768 : i32
    %dma_wait3A_590 = arith.constant 0 : i32
    %dma_wait3A_591 = tpu.memref_slice %arg0[%dma_wait3A_589, %dma_wait3A_590] : memref<33344x4096xf32, #tpu.memory_space<any>> -> memref<576x4096xf32, #tpu.memory_space<any>>
    %dma_wait3A_592 = arith.constant 0 : i32
    %dma_wait3A_593 = arith.constant 0 : i32
    %dma_wait3A_594 = tpu.memref_slice %arg1[%dma_wait3A_592, %dma_wait3A_593] : memref<1024x4096xf32, #tpu.memory_space<vmem>> -> memref<576x4096xf32, #tpu.memory_space<vmem>>
    tpu.wait_dma2 semaphore(%dma_wait3A_588 : memref<!tpu.dma_semaphore, #tpu.memory_space<semaphore_mem>>) src(%dma_wait3A_594 : memref<576x4096xf32, #tpu.memory_space<vmem>>) dst(%dma_wait3A_591 : memref<576x4096xf32, #tpu.memory_space<any>>)
    return
  }
}

module attributes {stable_mosaic.version = 14 : i64} {
  func.func @_merge_body(%arg0: i32, %arg1: memref<512x4096xi32, #tpu.memory_space<vmem>>, %arg2: memref<512x4096xf32, #tpu.memory_space<vmem>>, %arg3: memref<33344x4096xf32, #tpu.memory_space<any>>, %arg4: memref<512x4096xf32, #tpu.memory_space<vmem>>) attributes {dimension_semantics = [#tpu.dimension_semantics<arbitrary>], iteration_bounds = array<i64: 1>, scalar_prefetch = 0 : i64, scratch_operands = 0 : i64, tpu.core_type = #tpu.core_type<tc>, window_params = [{pipeline_mode = #tpu.pipeline_mode<synchronous>, transform_indices = @transform_0, window_bounds = array<i64: 512, 4096>}, {transform_indices = @transform_1, window_bounds = array<i64: 512, 4096>}, {}, {transform_indices = @transform_3, window_bounds = array<i64: 512, 4096>}]} {
    %get3A = arith.constant 0 : index
    %get3A_0 = arith.constant 0 : index
    %get3A_1 = vector.load %arg1[%get3A, %get3A_0] : memref<512x4096xi32, #tpu.memory_space<vmem>>, vector<512x4096xi32>
    %gt3A = arith.constant 0 : i32
    %gt3A_2 = vector.broadcast %gt3A : i32 to vector<512x4096xi32>
    %gt3A_3 = arith.cmpi sgt, %get3A_1, %gt3A_2 : vector<512x4096xi32>
    %get3A_4 = arith.constant 0 : index
    %get3A_5 = arith.constant 0 : index
    %get3A_6 = vector.load %arg2[%get3A_4, %get3A_5] : memref<512x4096xf32, #tpu.memory_space<vmem>>, vector<512x4096xf32>
    %jit3A = arith.constant -1.000000e+04 : f32
    %broadcast_in_dim3A = vector.broadcast %jit3A : f32 to vector<512x4096xf32>
    %select_n3A = arith.select %gt3A_3, %get3A_6, %broadcast_in_dim3A : vector<512x4096xi1>, vector<512x4096xf32>
    %swap3A = arith.constant 0 : index
    %swap3A_7 = arith.constant 0 : index
    %swap3A_8 = vector.load %arg4[%swap3A, %swap3A_7] : memref<512x4096xf32, #tpu.memory_space<vmem>>, vector<512x4096xf32>
    tpu.vector_store %arg4[%swap3A, %swap3A_7], %select_n3A {strides = array<i32>} : memref<512x4096xf32, #tpu.memory_space<vmem>>, vector<512x4096xf32>,
    return
  }
  func.func @transform_0(%arg0: i32) -> (i32, i32) {
    %c0_i32 = arith.constant 0 : i32
    %c0_i32_0 = arith.constant 0 : i32
    %c0_i32_1 = arith.constant 0 : i32
    return %c0_i32, %c0_i32_0 : i32, i32
  }
  func.func @transform_1(%arg0: i32) -> (i32, i32) {
    %c0_i32 = arith.constant 0 : i32
    %c0_i32_0 = arith.constant 0 : i32
    %c0_i32_1 = arith.constant 0 : i32
    return %c0_i32, %c0_i32_0 : i32, i32
  }
  func.func @transform_3(%arg0: i32) -> (i32, i32) {
    %c0_i32 = arith.constant 0 : i32
    %c0_i32_0 = arith.constant 0 : i32
    %c0_i32_1 = arith.constant 0 : i32
    return %c0_i32, %c0_i32_0 : i32, i32
  }
}

</mosaic_0001>

<sc_bundles>
// kernel: kernel.5.cloned.1.call-start
scs
__scs_entry_jumppad:
0x0: {  	(pc) =	sbr.rel $0x88, $3  }
0x1: {  	(tag) =	ssettag $0x0;
	lr =	simm.s32 $0x1  }
0x2: {  	[smem:$0x3F9F] =	sst lr;
	_ =	strace $0xD0000000  }
0x3: {  	_ = 	snop  }
0x4: {  	_ = 	snop  }
0x5: {  	_ = 	snop  }
0x6: {  	_ = 	snop  }
0x7: {  	_ = 	snop  }
__scs_overlays_trampoline_lowered:
0x8: {  	[smem:$0x3FAE] =	sst s0  }
0x9: {  	[smem:$0x3FAF] =	sst s1  }
0xa: {  	[smem:$0x3FB0] =	sst s2  }
0xb: {  	[smem:$0x3FB1] =	sst s3  }
0xc: {  	[smem:$0x3FB2] =	sst s4  }
0xd: {  	[smem:$0x3FB3] =	sst s5  }
0xe: {  	[smem:$0x3FB4] =	sst s6  }
0xf: {  	[smem:$0x3FB5] =	sst s7  }
0x10: {  	[smem:$0x3FB6] =	sst s8  }
0x11: {  	[smem:$0x3FB7] =	sst s9;
	s0 =	simm.s32 @!p0 $0x0  }
0x12: {  	s1 =	sld [smem:$0x3F9D];
	s0 =	simm.s32 @p0 $0x1  }
0x13: {  	[smem:$0x3FB8] =	sst s0;
	s0 =	simm.s32 @!p1 $0x0  }
0x14: {  	s2 =	sld [smem:$0x3F9C];
	s0 =	simm.s32 @p1 $0x1  }
0x15: {  	[smem:$0x3FB9] =	sst s0;
	s0 =	simm.s32 @!p2 $0x0  }
0x16: {  	s3 =	sld [smem:$0x3FDB];
	s0 =	simm.s32 @p2 $0x1  }
0x17: {  	s4 =	simm.s32 $0x1BF5;
	[smem:$0x3FBB] =	sst s0  }
0x18: {  	s0 =	sld [smem:$0x3F9E];
	_ =	swait.ge [sflag:s4], $0x0  }
0x19: {  	s7 =	sld [smem:$0x3F9F]  }
0x1a: {  	s8 =	sadd.s32 $0xFFFFE003, lr  }
0x1b: {  	s9 =	sadd.s32 $0xFFFFFEF7, lr;
	s5 =	simm.s32 $0xFFFFFFFF;
	p2 =	slt.u32 s8, $0xFFFFF086  }
0x1c: {  	p1 =	slt.u32 s9, $0xF7A;
	s5 =	simm.s32 @!p2 $0x0  }
0x1d: {  	s5 =	simm.s32 @p1 $0x1;
	p0 =	seq.s32 s7, s2  }
0x1e: {  	s7 =	smul.u32 @!p0 $0xF7A, s2;
	p2 =	seq.s32 @!p0 s5, $0x0  }
0x1f: {  	s9 =	smul.u32 $0xF7A, s1;
	s8 =	simm.s32 @!p0 $0x1BF5;
	p2 =	por !p2, p0  }
0x20: {  	[sflag:s8] =	ssyncset.s32 @!p0 $0xFFFFF086;
	s6 =	sadd.s32 @!p0 s3, s7;
	s7 =	simm.s32 @!p0 $0x108  }
0x21: {  	s3 =	sadd.s32 s3, s9;
	s6 =	sadd.s32 @!p0 $0x88, s6;
	s7 =	simm.s32 @p2 $0x1082  }
0x22: {  	[simem:s7], [sflag:s8] =	dma.local @!p0 [hbm:s6], $0xF7A  }
0x23: {  	s9 =	sor.u32 $0xD0000000, s2;
	s6 =	simm.s32 $0x108;
	_ =	swait.ge @!p0 [sflag:s8], $0x0  }
0x24: {  	s3 =	sadd.s32 $0x88, s3;
	s6 =	simm.s32 @!p1 $0x1082;
	[sflag:s4] =	ssyncset.s32 $0xFFFFF086  }
0x25: {  	[simem:s6], [sflag:s4] =	dma.local [hbm:s3], $0xF7A  }
0x26: {  	[smem:$0x3F9F] =	sst s1;
	(tag) =	ssettag s2;
	_ =	strace s9  }
0x27: {  	s1 =	sld [smem:$0x3FAF]  }
0x28: {  	s2 =	sld [smem:$0x3FB0]  }
0x29: {  	s4 =	sld [smem:$0x3FB2]  }
0x2a: {  	p0 =	seq.s32 s5, $0x0;
	s5 =	sld [smem:$0x3FB3]  }
0x2b: {  	s6 =	sld [smem:$0x3FB4]  }
0x2c: {  	s7 =	sld [smem:$0x3FB5]  }
0x2d: {  	s3 =	simm.s32 $0x108;
	s8 =	sld [smem:$0x3FB6]  }
0x2e: {  	s3 =	simm.s32 @!p0 $0x1082;
	s9 =	sld [smem:$0x3FB7]  }
0x2f: {  	lr =	sadd.s32 s0, s3;
	s0 =	sld [smem:$0x3FAE]  }
0x30: {  	s3 =	sld [smem:$0x3FB1]  }
0x31: {  	[smem:$0x3FBA] =	sst s10  }
0x32: {  	s10 =	sld [smem:$0x3FB8];
	_ =	sdelay $0x3  }
0x33: {  	p0 =	seq.s32 s10, $0x1;
	s10 =	sld [smem:$0x3FBA];
	_ =	sdelay $0x3  }
0x34: {  	[smem:$0x3FBA] =	sst s10  }
0x35: {  	s10 =	sld [smem:$0x3FB9];
	_ =	sdelay $0x3  }
0x36: {  	p1 =	seq.s32 s10, $0x1;
	s10 =	sld [smem:$0x3FBA];
	_ =	sdelay $0x3  }
0x37: {  	[smem:$0x3FBA] =	sst s10  }
0x38: {  	s10 =	sld [smem:$0x3FBB]  }
0x39: {  	_ = 	snop;
	(pc) =	sbr.ind lr, $3  }
0x3a: {  	_ = 	snop  }
0x3b: {  	_ = 	snop  }
0x3c: {  	p2 =	seq.s32 s10, $0x1;
	s10 =	sld [smem:$0x3FBA]  }
0x3d: {  	_ =	shalt  }
0x3e: {  	_ =	shalt  }
0x3f: {  	_ =	shalt  }
0x40: {  	_ =	shalt  }
0x41: {  	_ =	shalt  }
0x42: {  	_ =	shalt  }
0x43: {  	_ =	shalt  }
0x44: {  	_ =	shalt  }
0x45: {  	_ =	shalt  }
0x46: {  	_ =	shalt  }
0x47: {  	_ =	shalt  }
0x48: {  	_ =	shalt  }
0x49: {  	_ =	shalt  }
0x4a: {  	_ =	shalt  }
0x4b: {  	_ =	shalt  }
0x4c: {  	_ =	shalt  }
0x4d: {  	_ =	shalt  }
0x4e: {  	_ =	shalt  }
0x4f: {  	_ =	shalt  }
0x50: {  	_ =	shalt  }
0x51: {  	_ =	shalt  }
0x52: {  	_ =	shalt  }
0x53: {  	_ =	shalt  }
0x54: {  	_ =	shalt  }
0x55: {  	_ =	shalt  }
0x56: {  	_ =	shalt  }
0x57: {  	_ =	shalt  }
0x58: {  	_ =	shalt  }
0x59: {  	_ =	shalt  }
0x5a: {  	_ =	shalt  }
0x5b: {  	_ =	shalt  }
0x5c: {  	_ =	shalt  }
0x5d: {  	_ =	shalt  }
0x5e: {  	_ =	shalt  }
0x5f: {  	_ =	shalt  }
0x60: {  	_ =	shalt  }
0x61: {  	_ =	shalt  }
0x62: {  	_ =	shalt  }
0x63: {  	_ =	shalt  }
0x64: {  	_ =	shalt  }
0x65: {  	_ =	shalt  }
0x66: {  	_ =	shalt  }
0x67: {  	_ =	shalt  }
0x68: {  	_ =	shalt  }
0x69: {  	_ =	shalt  }
0x6a: {  	_ =	shalt  }
0x6b: {  	_ =	shalt  }
0x6c: {  	_ =	shalt  }
0x6d: {  	_ =	shalt  }
0x6e: {  	_ =	shalt  }
0x6f: {  	_ =	shalt  }
0x70: {  	_ =	shalt  }
0x71: {  	_ =	shalt  }
0x72: {  	_ =	shalt  }
0x73: {  	_ =	shalt  }
0x74: {  	_ =	shalt  }
0x75: {  	_ =	shalt  }
0x76: {  	_ =	shalt  }
0x77: {  	_ =	shalt  }
0x78: {  	_ =	shalt  }
0x79: {  	_ =	shalt  }
0x7a: {  	_ =	shalt  }
0x7b: {  	_ =	shalt  }
0x7c: {  	_ =	shalt  }
0x7d: {  	_ =	shalt  }
0x7e: {  	_ =	shalt  }
0x7f: {  	_ =	shalt  }
0x80: {  	_ =	shalt  }
0x81: {  	_ =	shalt  }
0x82: {  	_ =	shalt  }
0x83: {  	_ =	shalt  }
0x84: {  	_ =	shalt  }
0x85: {  	_ =	shalt  }
0x86: {  	_ =	shalt  }
0x87: {  	_ =	shalt  }
.Lfunc_end0:
.L_simem_size_0:
called_computation_lowered:
.L_overlay_start_0:
0x88: {  	s2 =	sld [smem:$0x3FD9]  }
0x89: {  	s3 =	sld [smem:$0x3FFE];
	_ =	sdelay $0x1  }
0x8a: {  	s1 =	srdreg.scid  }
0x8b: {  	s0 =	sand.u32 $0x1, s1  }
0x8c: {  	s14 =	sshll.u32 s0, $0xA;
	s2 =	sadd.s32 s3, s2  }
0x8d: {  	s2 =	sadd.s32 s2, s14  }
0x8e: {  	[smem:$0x3FC6] =	sst s2  }
0x8f: {  	_ = 	snop  }
0x90: {  	s2 =	sld [smem:$0x3FD0];
	_ =	sdelay $0x2  }
0x91: {  	s15 =	simm.s32 $0xA;
	s4 =	simm.s32 $0x10  }
0x92: {  	[smem:s4], [sflag:s15] =	dma.local [hbm:s2], $0x1  }
0x93: {  	_ =	swait.eq [sflag:s15], $0x1  }
0x94: {  	[sflag:s15] =	ssyncset.done $0x0  }
0x95: {  	[sflag:s15] =	ssyncadd.s32 $0xFFFFFFFF  }
0x96: {  	s16 =	sld [smem:$0x11];
	(tm) =	ssettm $0x1  }
0x97: {  	s17 =	sld [smem:$0x3FFB];
	_ =	sdelay $0x3  }
0x98: {  	_ =	strace s17  }
0x99: {  	s3 =	sld [smem:$0x3FFC];
	_ =	sdelay $0x3  }
0x9a: {  	_ =	strace s3  }
0x9b: {  	s3 =	sld [smem:$0x3FFD];
	_ =	sdelay $0x3  }
0x9c: {  	_ =	strace s3  }
0x9d: {  	_ =	strace $0x8FFFFFFF  }
0x9e: {  	s18 =	sld [smem:$0x3FDB];
	_ =	sdelay $0x1  }
0x9f: {  	s19 =	simm.s32 $_scs_section_size  }
0xa0: {  	s5 =	simm.s32 $_size__tile_overlayer_lowered;
	s6 =	simm.s32 $_tile_overlayer_lowered  }
0xa1: {  	s22 =	simm.s32 $0x1BFF;
	s21 =	sshll.u32 s6, $0x1;
	s3 =	sadd.s32 s19, s18  }
0xa2: {  	s7 =	simm.s32 $0x0;
	s20 =	sshll.u32 s5, $0x1;
	s5 =	sadd.s32 s21, s3  }
0xa3: {  	[timem:s7], [sflag:s22] =	dma.local [hbm:s5], s20  }
0xa4: {  	_ =	swait.ge [sflag:s22], s20  }
0xa5: {  	s4 =	ssub.s32 $0x0, s20;
	[sflag:s22] =	ssyncset.done $0x0  }
0xa6: {  	[sflag:s22] =	ssyncadd.s32 s4;
	_ =	sdelay $0x1  }
0xa7: {  	s23 =	simm.s32 $0x1B8B  }
0xa8: {  	_ =	swait.ge [sflag:s23], $0x1  }
0xa9: {  	[sflag:s23] =	ssyncset.done $0x0  }
0xaa: {  	s25 =	simm.s32 $0x1B8E;
	s24 =	sld [smem:$0x3FFE];
	[sflag:s23] =	ssyncadd.s32 $0xFFFFFFFF  }
0xab: {  	s26 =	simm.s32 $execute0_lowered;
	[smem:$0x3FD2] =	sst s25  }
0xac: {  	s5 =	sshll.u32 s26, $0x1;
	_ =	strace $0x80000046;
	[dreg:$0x1] =	wrdreg $0xFFFFFFFF  }
0xad: {  	s28 =	simm.s32 $_size_execute0_lowered;
	s3 =	sadd.s32 s3, s5;
	[dreg:$0x0] =	wrdreg $0x0  }
0xae: {  	s5 =	sshll.u32 s28, $0x1;
	[dreg:$0x2] =	wrdreg s3  }
0xaf: {  	[dreg:$0x3] =	wrdreg s5  }
0xb0: {  	[dreg:$0x4] =	wrdreg $0xC0  }
0xb1: {  	_ =	task [dreg:s7], $0x5FFFF  }
0xb2: {  	[dreg:$0x1] =	wrdreg $0xFFFFFFFF  }
0xb3: {  	[dreg:$0x0] =	wrdreg $0x60  }
0xb4: {  	[dreg:$0x2] =	wrdreg s16  }
0xb5: {  	[dreg:$0x3] =	wrdreg s24  }
0xb6: {  	[dreg:$0x4] =	wrdreg $0x9  }
0xb7: {  	_ =	task.clear_ibuf [dreg:s7], $0x5FFFF;
	_ =	strace $0x90000046  }
0xb8: {  	s29 =	simm.s32 $0x9;
	_ =	strace $0x80000048  }
0xb9: {  	_ =	swait.ge [sflag:s29], $0x1  }
0xba: {  	[sflag:s29] =	ssyncadd.s32 $0xFFFFFFFF  }
0xbb: {  	_ =	strace $0x90000048  }
0xbc: {  	_ =	sfence  }
0xbd: {  	s30 =	sld [smem:$0x0];
	_ =	sdelay $0x2  }
0xbe: {  	s31 =	sshll.u32 s1, $0xD;
	s1 =	sshrl.u32 s1, $0x2  }
0xbf: {  	s3 =	sand.u32 $0x4000, s31;
	s1 =	sadd.s32 s1, s30  }
0xc0: {  	s0 =	sor.u32 s3, s0;
	s1 =	sshll.u32 s1, $0x11  }
0xc1: {  	s0 =	sor.u32 s1, s0  }
0xc2: {  	s0 =	sadd.s32 $0x8F2B, s0  }
0xc3: {  	[sflag:s0] =	ssyncadd.remote.s32 $0x1  }
0xc4: {  	_ =	sfence.sel $0xFFFF  }
0xc5: {  	[dreg:$0x0] =	wrdreg $0xFFFFFFFF;
	(pc) =	sbr.abs _section_cstart, $3  }
0xc6: {  	[dreg:$0x1] =	wrdreg $0xFFFFFFFF  }
0xc7: {  	_ =	task.clear_ibuf [dreg:s7], $0x2FFFF;
	_ =	strace $0x9FFFFFFF  }
0xc8: {  	(tm) =	ssettm $0x7FFFFFFF  }
0xc9: {  	_ =	shalt  }
tec
execute0_lowered:
.L_overlay_start_1:
0x0: {  	(tag) =	ssettag $0x1  }
0x1: {  	s1 =	srdreg.scid  }
0x2: {  	s3 =	rddreg [dreg:$0x0];
	s0 =	stileid.u32  }
0x3: {  	s5 =	rddreg [dreg:$0x1];
	s2 =	simm.s32 $0x0;
	s10 =	simm.s32 $0x1000  }
0x4: {  	s11 =	simm.s32 $0x0;
	s4 =	sand.u32 $0x1, s1;
	s1 =	rddreg [dreg:$0x2]  }
0x5: {  	s6 =	sshll.u32 s0, $0x8;
	[smem:$0x7FF] =	sst s2;
	s7 =	sshll.u32 s4, $0x7  }
0x6: {  	_ =	strace $0x80000047;
	s4 =	ssub.s32 $0x2, s4;
	s6 =	sor.u32 s7, s6  }
0x7: {  	s9 =	sshrl.u32 s4, $0x1;
	s7 =	smul.u32 $0x208, s6;
	s8 =	sshrl.u32 s6, $0x3  }
0x8: {  	s6 =	smul.u32 $0x41, s6;
	s30 =	ssub.s32 s4, s9;
	s9 =	simm.s32 $0x80  }
0x9: {  	s5 =	sadd.s32 s8, s5;
	s8 =	simm.s32 $0x8200;
	s7 =	sshrl.u32 s7, $0x3  }
0xa: {  	s5 =	sadd.s32 $0x400, s5;
	s31 =	sadd.s32 s3, s7;
	s3 =	sadd.s32 s3, s6  }
0xb: {  	v0 =	vimm.s32 $0x0;
	v1 =	vlaneseq.u32;
	v2 =	vimm.s32 $0x1;
	s6 =	smax.u32 s30, $0x1;
	s7 =	simm.s32 $0x1;
	s4 =	sadd.s32 $0x1040, s31  }
.LBB2_1:
0xc: {  	s12 =	simm.s32 $0x0;
	s13 =	simm.s32 $0x200  }
.LBB2_2:
0xd: {  	p0 =	sne.s32 s13, $0x3FE00;
	[tilespmem:s12+$0x8270] =	vst v0  }
0xe: {  	[tilespmem:s12+$0x8200] =	vst v0  }
0xf: {  	[tilespmem:s12+$0x8210] =	vst v0  }
.Ltmp0:
0x10: {  	[tilespmem:s12+$0x8220] =	vst v0;
	(pc) =	sbr.rel @p0 .LBB2_2-.Ltmp0, $4  }
0x11: {  	[tilespmem:s12+$0x8230] =	vst v0  }
0x12: {  	[tilespmem:s12+$0x8240] =	vst v0  }
0x13: {  	[tilespmem:s12+$0x8250] =	vst v0  }
0x14: {  	[tilespmem:s12+$0x8260] =	vst v0;
	s12 =	sshra.s32 s13, $0x2;
	s13 =	sadd.s32 $0x200, s13  }
0x15: {  	[tilespmem:s12+$0x8270] =	vst v0  }
0x16: {  	[tilespmem:s12+$0x8200] =	vst v0  }
0x17: {  	[tilespmem:s12+$0x8210] =	vst v0  }
0x18: {  	[tilespmem:s12+$0x8220] =	vst v0  }
0x19: {  	[tilespmem:s12+$0x8230] =	vst v0  }
0x1a: {  	[tilespmem:s12+$0x8240] =	vst v0  }
0x1b: {  	[tilespmem:s12+$0x8250] =	vst v0  }
0x1c: {  	[tilespmem:s12+$0x8260] =	vst v0;
	s12 =	simm.s32 $0x0  }
0x1d: {  	[tilespmem:s12], [sflag:$0x1] =	stream.linear.gather [hbm4b:s3+s12], $0x8200, $0x38;
	[tilespmem:$0x18200] =	vst v63  }
0x1e: {  	_ =	swait.ge [sflag:s7], $0x8200  }
0x1f: {  	[sflag:s7] =	ssyncset.done $0x0  }
0x20: {  	[sflag:s7] =	ssyncadd.s32 $0xFFFF7E00  }
.LBB2_4:
0x21: {  	v3 =	vmov s12;
	s13 =	simm.s32 $0x1  }
0x22: {  	v4 =	vmul.u32 $0x208, v3;
	v5 =	vadd.s32 s13, v1  }
0x23: {  	v6 =	vand.u32 $0x3F8, v5  }
0x24: {  	v5 =	vand.u32 $0x7, v5;
	v6 =	vadd.s32 v4, v6  }
0x25: {  	v6 =	vor.u32 v5, v6  }
0x26: {  	s31 =	smul.u32 $0x820, s12;
	_ =	sdelay $0x1  }
0x27: {  	s13 =	sshra.s32 s31, $0x2  }
0x28: {  	v5 =	vld.msk [tilespmem:s13+$0x0 ss:$0x0], $0xffff  }
0x29: {  	v6 =	vld.idx.msk [tilespmem:v6+s2+$0x0], $0xffff;
	_ =	sdelay $0x1  }
0x2a: {  	s16 =	simm.s32 $0x11  }
0x2b: {  	s15 =	simm.s32 $0x20;
	s14 =	simm.s32 $0x0;
	s13 =	simm.s32 $0x10  }
.LBB2_5:
0x2c: {  	p0 =	sne.s32 s15, $0x1F0;
	v7 =	vadd.s32 s16, v1;
	v8 =	vor.u32 s14, v1;
	s14 =	smov.u32 s13;
	s13 =	smov.u32 s15  }
0x2d: {  	v6 =	vshll.u32 v6, $0x7;
	v9 =	vand.u32 $0x3F8, v7;
	vm0 =	vlt.s32 v8, v5  }
0x2e: {  	v7 =	vand.u32 $0x7, v7;
	v6 =	vadd.s32 v3, v6;
	v8 =	vadd.s32 v4, v9  }
0x2f: {  	v7 =	vor.u32 v7, v8;
	_ =	sdelay $0x3  }
0x30: {  	[tilespmem:v6+s8+$0x0] =	vst.idx.msk vm0, v2  }
.Ltmp1:
0x31: {  	v6 =	vld.idx.msk [tilespmem:v7+s2+$0x0], $0xffff;
	(pc) =	sbr.rel @p0 .LBB2_5-.Ltmp1, $2  }
0x32: {  	_ =	sdelay $0x2  }
0x33: {  	s15 =	sadd.s32 $0x10, s15;
	s16 =	sadd.s32 $0x1, s13  }
0x34: {  	v7 =	vadd.s32 s16, v1;
	v8 =	vor.u32 s14, v1  }
0x35: {  	v6 =	vshll.u32 v6, $0x7;
	v9 =	vand.u32 $0x3F8, v7;
	vm0 =	vlt.s32 v8, v5  }
0x36: {  	v7 =	vand.u32 $0x7, v7;
	v6 =	vadd.s32 v3, v6;
	v4 =	vadd.s32 v4, v9  }
0x37: {  	v4 =	vor.u32 v7, v4;
	_ =	sdelay $0x3  }
0x38: {  	[tilespmem:v6+s8+$0x0] =	vst.idx.msk vm0, v2  }
0x39: {  	v4 =	vld.idx.msk [tilespmem:v4+s2+$0x0], $0xffff;
	_ =	sdelay $0x3  }
0x3a: {  	v63 =	vor.u32 s13, v1  }
0x3b: {  	s12 =	sadd.s32 $0x1, s12;
	vm15 =	vlt.s32 v63, v5;
	v4 =	vshll.u32 v4, $0x7  }
0x3c: {  	p0 =	sne.s32 s12, $0x40;
	v3 =	vadd.s32 v3, v4  }
.Ltmp2:
0x3d: {  	_ = 	snop;
	(pc) =	sbr.rel @p0 .LBB2_4-.Ltmp2, $2  }
0x3e: {  	_ =	sdelay $0x2  }
0x3f: {  	[tilespmem:v3+s8+$0x0] =	vst.idx.msk vm15, v2  }
0x40: {  	s12 =	simm.s32 $0x0  }
0x41: {  	[tilespmem:s12], [sflag:$0x1] =	stream.linear.gather [hbm4b:s4+s12], $0x8200, $0x38;
	[tilespmem:$0x18200] =	vst v63  }
0x42: {  	_ =	swait.ge [sflag:s7], $0x8200  }
0x43: {  	[sflag:s7] =	ssyncset.done $0x0  }
0x44: {  	[sflag:s7] =	ssyncadd.s32 $0xFFFF7E00  }
.LBB2_8:
0x45: {  	v3 =	vmov s12  }
0x46: {  	v3 =	vmul.u32 $0x208, v3  }
0x47: {  	s13 =	simm.s32 $0x1  }
0x48: {  	v4 =	vadd.s32 s13, v1;
	v3 =	vbroadcast v3, $0x0  }
0x49: {  	v5 =	vand.u32 $0x3F8, v4  }
0x4a: {  	v4 =	vand.u32 $0x7, v4;
	v5 =	vadd.s32 v3, v5  }
0x4b: {  	v6 =	vor.u32 v4, v5  }
0x4c: {  	s31 =	smul.u32 $0x820, s12;
	_ =	sdelay $0x1  }
0x4d: {  	s13 =	sshra.s32 s31, $0x2  }
0x4e: {  	v4 =	vld.msk [tilespmem:s13+$0x0 ss:$0x0], $0xffff  }
0x4f: {  	s14 =	sor.u32 $0x40, s12;
	v6 =	vld.idx.msk [tilespmem:v6+s2+$0x0], $0xffff  }
0x50: {  	v5 =	vmov s14  }
0x51: {  	s16 =	simm.s32 $0x11;
	v5 =	vand.u32 $0x7F, v5  }
0x52: {  	s15 =	simm.s32 $0x20;
	s13 =	simm.s32 $0x10;
	s14 =	simm.s32 $0x0;
	v5 =	vbroadcast v5, $0x0  }
.LBB2_9:
0x53: {  	p0 =	sne.s32 s15, $0x1F0;
	v7 =	vadd.s32 s16, v1;
	v8 =	vor.u32 s14, v1;
	s14 =	smov.u32 s13;
	s13 =	smov.u32 s15  }
0x54: {  	v6 =	vshll.u32 v6, $0x7;
	v9 =	vand.u32 $0x3F8, v7;
	vm0 =	vlt.s32 v8, v4  }
0x55: {  	v7 =	vand.u32 $0x7, v7;
	v6 =	vor.u32 v5, v6;
	v8 =	vadd.s32 v3, v9  }
0x56: {  	v7 =	vor.u32 v7, v8;
	_ =	sdelay $0x3  }
0x57: {  	[tilespmem:v6+s8+$0x0] =	vst.idx.msk vm0, v2  }
.Ltmp3:
0x58: {  	v6 =	vld.idx.msk [tilespmem:v7+s2+$0x0], $0xffff;
	(pc) =	sbr.rel @p0 .LBB2_9-.Ltmp3, $2  }
0x59: {  	_ =	sdelay $0x2  }
0x5a: {  	s15 =	sadd.s32 $0x10, s15;
	s16 =	sadd.s32 $0x1, s13  }
0x5b: {  	v7 =	vadd.s32 s16, v1;
	v8 =	vor.u32 s14, v1  }
0x5c: {  	v6 =	vshll.u32 v6, $0x7;
	v9 =	vand.u32 $0x3F8, v7;
	vm0 =	vlt.s32 v8, v4  }
0x5d: {  	v7 =	vand.u32 $0x7, v7;
	v6 =	vor.u32 v5, v6;
	v3 =	vadd.s32 v3, v9  }
0x5e: {  	v3 =	vor.u32 v7, v3;
	_ =	sdelay $0x3  }
0x5f: {  	[tilespmem:v6+s8+$0x0] =	vst.idx.msk vm0, v2  }
0x60: {  	v3 =	vld.idx.msk [tilespmem:v3+s2+$0x0], $0xffff;
	_ =	sdelay $0x3  }
0x61: {  	v63 =	vor.u32 s13, v1  }
0x62: {  	s12 =	sadd.s32 $0x1, s12;
	vm15 =	vlt.s32 v63, v4;
	v3 =	vshll.u32 v3, $0x7  }
0x63: {  	p0 =	sne.s32 s12, $0x40;
	v3 =	vor.u32 v5, v3  }
.Ltmp4:
0x64: {  	_ = 	snop;
	(pc) =	sbr.rel @p0 .LBB2_8-.Ltmp4, $2  }
0x65: {  	_ =	sdelay $0x2  }
0x66: {  	[tilespmem:v3+s8+$0x0] =	vst.idx.msk vm15, v2  }
0x67: {  	s11 =	sadd.s32 $0x1, s11  }
0x68: {  	p0 =	sne.s32 s11, s6  }
.Ltmp5:
0x69: {  	_ = 	snop;
	(pc) =	sbr.rel @p0 .LBB2_1-.Ltmp5, $4  }
0x6a: {  	[hbm4b:s5+s9] =	stream.strided.scatter [tilespmem:s8], [sflag:$0x1], $0x10000, s10, s9, $0x38;
	[tilespmem:$0x18200] =	vst v63  }
0x6b: {  	_ =	swait.ge [sflag:s7], $0x10000  }
0x6c: {  	[sflag:s7] =	ssyncset.done $0x0  }
0x6d: {  	[sflag:s7] =	ssyncadd.s32 $0xFFFF0000  }
0x6e: {  	_ =	sfence.sel $0x180000  }
0x6f: {  	[bflag:$0x0] =	sbarrier.arrive $0xFFFF  }
0x70: {  	p0 =	sne.s32 s0, $0x0;
	_ =	strace $0x90000047  }
0x71: {  	s0 =	sadd.s32 @!p0 $0x100000, s1;
	[bflag:$0x2] =	sbarrier.arrive $0xFFFF  }
0x72: {  	[sflag:s0] =	ssyncadd.tile.s32 @!p0 $0x1;
	_ =	shalt  }
.Lfunc_end2:
_tile_overlayer_lowered:
.L_overlay_start_2:
0x73: {  	(tag) =	ssettag $0x2  }
0x74: {  	s0 =	rddreg [dreg:$0x0];
	s2 =	stileid.u32  }
0x75: {  	s1 =	rddreg [dreg:$0x1];
	p0 =	sne.s32 s2, $0x0  }
0x76: {  	s3 =	rddreg [dreg:$0x2];
	[bflag:$0x3] =	sbarrier.arrive $0xFFFF;
	s2 =	simm.s32 @!p0 $0x1C01  }
0x77: {  	[timem:s3], [sflag:s2] =	dma.local @!p0 [hbm:s0], s1  }
0x78: {  	s0 =	simm.s32 @!p0 $0x1  }
0x79: {  	_ =	swait.ge @!p0 [sflag:s0], s1  }
0x7a: {  	s1 =	ssub.s32 @!p0 $0x0, s1;
	[sflag:s0] =	ssyncset.done @!p0 $0x0  }
0x7b: {  	[sflag:s0] =	ssyncadd.s32 @!p0 s1  }
0x7c: {  	[bflag:$0x3] =	sbarrier.arrive $0xFFFF  }
0x7d: {  	_ =	shalt  }

</sc_bundles>
